<compile_context>
chip_gen: v7x
topology: tpu7x:2x2x1
jax: 0.10.2.dev20260603
libtpu: 0.0.44.dev20260713+nightly
codegen_flags: <defaults>
</compile_context>

<pallas_src>
import functools

import jax
import jax.numpy as jnp
from jax import lax
from jax.experimental import pallas as pl
from jax.experimental.pallas import tpu as pltpu
from jax.experimental.pallas import tpu_sc as plsc

DIM = 128
NC, NS = 2, 16
NW = NC * NS
NTOK = 4096
SEQ = 50
IPAD = 64
TPW = NTOK // NW
G = 4
NGRP = TPW // G

_mesh = plsc.VectorSubcoreMesh(core_axis_name="c", subcore_axis_name="s")


@functools.partial(
    pl.kernel,
    mesh=_mesh,
    out_type=jax.ShapeDtypeStruct((NTOK, SEQ, DIM), jnp.float32),
    scratch_types=[
        pltpu.VMEM((TPW * IPAD,), jnp.int32),
        pltpu.VMEM((G, SEQ, DIM), jnp.float32),
        pltpu.VMEM((G, SEQ, DIM), jnp.float32),
        pltpu.SemaphoreType.DMA,
        pltpu.SemaphoreType.DMA,
        pltpu.SemaphoreType.DMA,
        pltpu.SemaphoreType.DMA,
    ],
)
def _gather_kernel(table, idx_hbm, out, idx_v, buf_a, buf_b,
                   in_a, in_b, out_a, out_b):
    wid = lax.axis_index("s") * NC + lax.axis_index("c")
    s0 = wid * TPW
    pltpu.sync_copy(idx_hbm.at[pl.ds(s0 * IPAD, TPW * IPAD)], idx_v)

    def gstart(g, buf, sem):
        for j in range(G):
            pltpu.async_copy(
                table.at[idx_v.at[pl.ds((g * G + j) * IPAD, SEQ)]],
                buf.at[j], sem)

    def gwait(buf, sem):
        for j in range(G):
            pltpu.make_async_copy(out.at[0], buf.at[j], sem).wait()

    def wstart(g, buf, sem):
        pltpu.async_copy(buf, out.at[pl.ds(s0 + g * G, G)], sem)

    def wwait(buf, sem):
        pltpu.make_async_copy(buf, out.at[pl.ds(s0, G)], sem).wait()

    gstart(0, buf_a, in_a)
    gstart(1, buf_b, in_b)

    def body(i, carry):
        g0 = 2 * i
        gwait(buf_a, in_a)
        wstart(g0, buf_a, out_a)
        gwait(buf_b, in_b)
        wstart(g0 + 1, buf_b, out_b)
        wwait(buf_a, out_a)
        gstart(g0 + 2, buf_a, in_a)
        wwait(buf_b, out_b)
        gstart(g0 + 3, buf_b, in_b)
        return carry

    lax.fori_loop(0, (NGRP - 2) // 2, body, 0)

    gwait(buf_a, in_a)
    wstart(NGRP - 2, buf_a, out_a)
    gwait(buf_b, in_b)
    wstart(NGRP - 1, buf_b, out_b)
    wwait(buf_a, out_a)
    wwait(buf_b, out_b)


def kernel(token_ids, embeddings):
    ids = token_ids.astype(jnp.int32)
    idx = jnp.pad(ids, ((0, 0), (0, IPAD - SEQ))).reshape(-1)
    return _gather_kernel(embeddings, idx)

# --- scband reference (transcript-rebuilt; emitter-appended) ---
"""Pipeline reference for scband-embedding-16346645528918 (READ-ONLY COPY).

The authoritative reference and input builder live on the scoring server;
editing this copy changes nothing except your own understanding.
"""

import jax, jax.numpy as jnp
import numpy as np

NUM_EMBEDDINGS = 100000
EMBEDDING_DIM = 128


def setup_inputs(seed: int = 0) -> dict:
    key = jax.random.key(seed)
    k_idx, k_tab = jax.random.split(key)
    token_ids = jax.random.randint(k_idx, (4096, 50), 0, NUM_EMBEDDINGS, dtype=jnp.int64 if jax.config.read('jax_enable_x64') else jnp.int32)
    std = np.sqrt(2.0 / (NUM_EMBEDDINGS + EMBEDDING_DIM))
    # trunc_normal_ in torch truncates at +/-2 std by default
    embeddings = jax.random.truncated_normal(k_tab, -2.0, 2.0, (NUM_EMBEDDINGS, EMBEDDING_DIM), dtype=jnp.float32) * std
    return {"token_ids": token_ids, "embeddings": embeddings}


def reference(token_ids, embeddings):
    # Faithful translation of: self.embeddings[token_ids]
    return jnp.take(embeddings, token_ids, axis=0)

if __name__ == "__main__":
    import jax
    _d = setup_inputs()
    print(jax.jit(kernel)(*tuple(_d.values())))

</pallas_src>

<mosaic_0001>
#map = affine_map<(d0, d1) -> (0, 0)>
#map1 = affine_map<(d0, d1) -> (0)>
#map2 = affine_map<(d0, d1) -> (0, 0, 0)>
module attributes {stable_mosaic.version = 14 : i64} {
  func.func @_gather_kernel(%arg0: i32, %arg1: i32, %arg2: memref<100000x128xf32, #tpu.memory_space<hbm>>, %arg3: memref<262144xi32, #tpu.memory_space<hbm>>, %arg4: memref<4096x50x128xf32, #tpu.memory_space<hbm>>, %arg5: memref<8192xi32, #tpu.memory_space<vmem>>, %arg6: memref<4x50x128xf32, #tpu.memory_space<vmem>>, %arg7: memref<4x50x128xf32, #tpu.memory_space<vmem>>, %arg8: memref<!tpu.dma_semaphore, #tpu.memory_space<semaphore_mem>>, %arg9: memref<!tpu.dma_semaphore, #tpu.memory_space<semaphore_mem>>, %arg10: memref<!tpu.dma_semaphore, #tpu.memory_space<semaphore_mem>>, %arg11: memref<!tpu.dma_semaphore, #tpu.memory_space<semaphore_mem>>) attributes {dimension_semantics = [#tpu.dimension_semantics<core_parallel>, #tpu.dimension_semantics<subcore_parallel>], iteration_bounds = array<i64: 2, 16>, scalar_prefetch = 0 : i64, scratch_operands = 7 : i64, tpu.core_type = #tpu.core_type<sc_vector_subcore>, window_params = [{transform_indices = #map}, {transform_indices = #map1}, {transform_indices = #map2}]} {
    %mul3A = arith.constant 2 : i32
    %mul3A_0 = arith.muli %arg1, %mul3A : i32
    %add3A = arith.addi %mul3A_0, %arg0 : i32
    %mul3A_1 = arith.constant 128 : i32
    %mul3A_2 = arith.muli %add3A, %mul3A_1 : i32
    %mul3A_3 = arith.constant 64 : i32
    %mul3A_4 = arith.muli %mul3A_2, %mul3A_3 : i32
    "tpu.region"() ({
      %run_scoped3A = tpu.sem_alloc : memref<!tpu.dma_semaphore, #tpu.memory_space<semaphore_mem>>
      %dma_start3A_260 = tpu.memref_slice %arg3[%mul3A_4] : memref<262144xi32, #tpu.memory_space<hbm>> -> memref<8192xi32, #tpu.memory_space<hbm>>
      %dma_start3A_261 = tpu.memref_slice %arg3[%mul3A_4] : memref<262144xi32, #tpu.memory_space<hbm>> -> memref<8192xi32, #tpu.memory_space<hbm>>
      tpu.enqueue_dma source(%dma_start3A_261 : memref<8192xi32, #tpu.memory_space<hbm>>) target(%arg5 : memref<8192xi32, #tpu.memory_space<vmem>>) target_semaphore(%run_scoped3A : memref<!tpu.dma_semaphore, #tpu.memory_space<semaphore_mem>>)
      %dma_wait3A_262 = tpu.memref_slice %arg3[%mul3A_4] : memref<262144xi32, #tpu.memory_space<hbm>> -> memref<8192xi32, #tpu.memory_space<hbm>>
      %dma_wait3A_263 = tpu.memref_slice %arg3[%mul3A_4] : memref<262144xi32, #tpu.memory_space<hbm>> -> memref<8192xi32, #tpu.memory_space<hbm>>
      tpu.wait_dma2 semaphore(%run_scoped3A : memref<!tpu.dma_semaphore, #tpu.memory_space<semaphore_mem>>) src(%dma_wait3A_263 : memref<8192xi32, #tpu.memory_space<hbm>>) dst(%arg5 : memref<8192xi32, #tpu.memory_space<vmem>>)
      tpu.yield
    }) : () -> ()
    %dma_start3A = arith.constant 0 : i32
    %dma_start3A_5 = arith.constant 0 : i32
    %dma_start3A_6 = arith.constant 0 : i32
    %dma_start3A_7 = tpu.memref_slice %arg6[%dma_start3A, %dma_start3A_5, %dma_start3A_6] : memref<4x50x128xf32, #tpu.memory_space<vmem>> -> memref<1x50x128xf32, #tpu.memory_space<vmem>>
    %dma_start3A_8 = tpu.memref_squeeze %dma_start3A_7 : memref<1x50x128xf32, #tpu.memory_space<vmem>> -> memref<50x128xf32, #tpu.memory_space<vmem>>
    %dma_start3A_9 = arith.constant 0 : i32
    %dma_start3A_10 = tpu.memref_slice %arg5[%dma_start3A_9] : memref<8192xi32, #tpu.memory_space<vmem>> -> memref<50xi32, #tpu.memory_space<vmem>>
    %dma_start3A_11 = arith.constant 0 : i32
    %dma_start3A_12 = arith.constant 0 : i32
    %dma_start3A_13 = tpu.memref_slice %arg2[%dma_start3A_11, %dma_start3A_12] : memref<100000x128xf32, #tpu.memory_space<hbm>> -> memref<100000x128xf32, #tpu.memory_space<hbm>>
    tpu.enqueue_indirect_dma source(%dma_start3A_13 : memref<100000x128xf32, #tpu.memory_space<hbm>>) target(%dma_start3A_8 : memref<50x128xf32, #tpu.memory_space<vmem>>) offsets(%dma_start3A_10 : memref<50xi32, #tpu.memory_space<vmem>>) semaphore(%arg8 : memref<!tpu.dma_semaphore, #tpu.memory_space<semaphore_mem>>)
    %dma_start3A_14 = arith.constant 1 : i32
    %dma_start3A_15 = arith.constant 0 : i32
    %dma_start3A_16 = arith.constant 0 : i32
    %dma_start3A_17 = tpu.memref_slice %arg6[%dma_start3A_14, %dma_start3A_15, %dma_start3A_16] : memref<4x50x128xf32, #tpu.memory_space<vmem>> -> memref<1x50x128xf32, #tpu.memory_space<vmem>>
    %dma_start3A_18 = tpu.memref_squeeze %dma_start3A_17 : memref<1x50x128xf32, #tpu.memory_space<vmem>> -> memref<50x128xf32, #tpu.memory_space<vmem>>
    %dma_start3A_19 = arith.constant 64 : i32
    %dma_start3A_20 = tpu.memref_slice %arg5[%dma_start3A_19] : memref<8192xi32, #tpu.memory_space<vmem>> -> memref<50xi32, #tpu.memory_space<vmem>>
    %dma_start3A_21 = arith.constant 0 : i32
    %dma_start3A_22 = arith.constant 0 : i32
    %dma_start3A_23 = tpu.memref_slice %arg2[%dma_start3A_21, %dma_start3A_22] : memref<100000x128xf32, #tpu.memory_space<hbm>> -> memref<100000x128xf32, #tpu.memory_space<hbm>>
    tpu.enqueue_indirect_dma source(%dma_start3A_23 : memref<100000x128xf32, #tpu.memory_space<hbm>>) target(%dma_start3A_18 : memref<50x128xf32, #tpu.memory_space<vmem>>) offsets(%dma_start3A_20 : memref<50xi32, #tpu.memory_space<vmem>>) semaphore(%arg8 : memref<!tpu.dma_semaphore, #tpu.memory_space<semaphore_mem>>)
    %dma_start3A_24 = arith.constant 2 : i32
    %dma_start3A_25 = arith.constant 0 : i32
    %dma_start3A_26 = arith.constant 0 : i32
    %dma_start3A_27 = tpu.memref_slice %arg6[%dma_start3A_24, %dma_start3A_25, %dma_start3A_26] : memref<4x50x128xf32, #tpu.memory_space<vmem>> -> memref<1x50x128xf32, #tpu.memory_space<vmem>>
    %dma_start3A_28 = tpu.memref_squeeze %dma_start3A_27 : memref<1x50x128xf32, #tpu.memory_space<vmem>> -> memref<50x128xf32, #tpu.memory_space<vmem>>
    %dma_start3A_29 = arith.constant 128 : i32
    %dma_start3A_30 = tpu.memref_slice %arg5[%dma_start3A_29] : memref<8192xi32, #tpu.memory_space<vmem>> -> memref<50xi32, #tpu.memory_space<vmem>>
    %dma_start3A_31 = arith.constant 0 : i32
    %dma_start3A_32 = arith.constant 0 : i32
    %dma_start3A_33 = tpu.memref_slice %arg2[%dma_start3A_31, %dma_start3A_32] : memref<100000x128xf32, #tpu.memory_space<hbm>> -> memref<100000x128xf32, #tpu.memory_space<hbm>>
    tpu.enqueue_indirect_dma source(%dma_start3A_33 : memref<100000x128xf32, #tpu.memory_space<hbm>>) target(%dma_start3A_28 : memref<50x128xf32, #tpu.memory_space<vmem>>) offsets(%dma_start3A_30 : memref<50xi32, #tpu.memory_space<vmem>>) semaphore(%arg8 : memref<!tpu.dma_semaphore, #tpu.memory_space<semaphore_mem>>)
    %dma_start3A_34 = arith.constant 3 : i32
    %dma_start3A_35 = arith.constant 0 : i32
    %dma_start3A_36 = arith.constant 0 : i32
    %dma_start3A_37 = tpu.memref_slice %arg6[%dma_start3A_34, %dma_start3A_35, %dma_start3A_36] : memref<4x50x128xf32, #tpu.memory_space<vmem>> -> memref<1x50x128xf32, #tpu.memory_space<vmem>>
    %dma_start3A_38 = tpu.memref_squeeze %dma_start3A_37 : memref<1x50x128xf32, #tpu.memory_space<vmem>> -> memref<50x128xf32, #tpu.memory_space<vmem>>
    %dma_start3A_39 = arith.constant 192 : i32
    %dma_start3A_40 = tpu.memref_slice %arg5[%dma_start3A_39] : memref<8192xi32, #tpu.memory_space<vmem>> -> memref<50xi32, #tpu.memory_space<vmem>>
    %dma_start3A_41 = arith.constant 0 : i32
    %dma_start3A_42 = arith.constant 0 : i32
    %dma_start3A_43 = tpu.memref_slice %arg2[%dma_start3A_41, %dma_start3A_42] : memref<100000x128xf32, #tpu.memory_space<hbm>> -> memref<100000x128xf32, #tpu.memory_space<hbm>>
    tpu.enqueue_indirect_dma source(%dma_start3A_43 : memref<100000x128xf32, #tpu.memory_space<hbm>>) target(%dma_start3A_38 : memref<50x128xf32, #tpu.memory_space<vmem>>) offsets(%dma_start3A_40 : memref<50xi32, #tpu.memory_space<vmem>>) semaphore(%arg8 : memref<!tpu.dma_semaphore, #tpu.memory_space<semaphore_mem>>)
    %dma_start3A_44 = arith.constant 0 : i32
    %dma_start3A_45 = arith.constant 0 : i32
    %dma_start3A_46 = arith.constant 0 : i32
    %dma_start3A_47 = tpu.memref_slice %arg7[%dma_start3A_44, %dma_start3A_45, %dma_start3A_46] : memref<4x50x128xf32, #tpu.memory_space<vmem>> -> memref<1x50x128xf32, #tpu.memory_space<vmem>>
    %dma_start3A_48 = tpu.memref_squeeze %dma_start3A_47 : memref<1x50x128xf32, #tpu.memory_space<vmem>> -> memref<50x128xf32, #tpu.memory_space<vmem>>
    %dma_start3A_49 = arith.constant 256 : i32
    %dma_start3A_50 = tpu.memref_slice %arg5[%dma_start3A_49] : memref<8192xi32, #tpu.memory_space<vmem>> -> memref<50xi32, #tpu.memory_space<vmem>>
    %dma_start3A_51 = arith.constant 0 : i32
    %dma_start3A_52 = arith.constant 0 : i32
    %dma_start3A_53 = tpu.memref_slice %arg2[%dma_start3A_51, %dma_start3A_52] : memref<100000x128xf32, #tpu.memory_space<hbm>> -> memref<100000x128xf32, #tpu.memory_space<hbm>>
    tpu.enqueue_indirect_dma source(%dma_start3A_53 : memref<100000x128xf32, #tpu.memory_space<hbm>>) target(%dma_start3A_48 : memref<50x128xf32, #tpu.memory_space<vmem>>) offsets(%dma_start3A_50 : memref<50xi32, #tpu.memory_space<vmem>>) semaphore(%arg9 : memref<!tpu.dma_semaphore, #tpu.memory_space<semaphore_mem>>)
    %dma_start3A_54 = arith.constant 1 : i32
    %dma_start3A_55 = arith.constant 0 : i32
    %dma_start3A_56 = arith.constant 0 : i32
    %dma_start3A_57 = tpu.memref_slice %arg7[%dma_start3A_54, %dma_start3A_55, %dma_start3A_56] : memref<4x50x128xf32, #tpu.memory_space<vmem>> -> memref<1x50x128xf32, #tpu.memory_space<vmem>>
    %dma_start3A_58 = tpu.memref_squeeze %dma_start3A_57 : memref<1x50x128xf32, #tpu.memory_space<vmem>> -> memref<50x128xf32, #tpu.memory_space<vmem>>
    %dma_start3A_59 = arith.constant 320 : i32
    %dma_start3A_60 = tpu.memref_slice %arg5[%dma_start3A_59] : memref<8192xi32, #tpu.memory_space<vmem>> -> memref<50xi32, #tpu.memory_space<vmem>>
    %dma_start3A_61 = arith.constant 0 : i32
    %dma_start3A_62 = arith.constant 0 : i32
    %dma_start3A_63 = tpu.memref_slice %arg2[%dma_start3A_61, %dma_start3A_62] : memref<100000x128xf32, #tpu.memory_space<hbm>> -> memref<100000x128xf32, #tpu.memory_space<hbm>>
    tpu.enqueue_indirect_dma source(%dma_start3A_63 : memref<100000x128xf32, #tpu.memory_space<hbm>>) target(%dma_start3A_58 : memref<50x128xf32, #tpu.memory_space<vmem>>) offsets(%dma_start3A_60 : memref<50xi32, #tpu.memory_space<vmem>>) semaphore(%arg9 : memref<!tpu.dma_semaphore, #tpu.memory_space<semaphore_mem>>)
    %dma_start3A_64 = arith.constant 2 : i32
    %dma_start3A_65 = arith.constant 0 : i32
    %dma_start3A_66 = arith.constant 0 : i32
    %dma_start3A_67 = tpu.memref_slice %arg7[%dma_start3A_64, %dma_start3A_65, %dma_start3A_66] : memref<4x50x128xf32, #tpu.memory_space<vmem>> -> memref<1x50x128xf32, #tpu.memory_space<vmem>>
    %dma_start3A_68 = tpu.memref_squeeze %dma_start3A_67 : memref<1x50x128xf32, #tpu.memory_space<vmem>> -> memref<50x128xf32, #tpu.memory_space<vmem>>
    %dma_start3A_69 = arith.constant 384 : i32
    %dma_start3A_70 = tpu.memref_slice %arg5[%dma_start3A_69] : memref<8192xi32, #tpu.memory_space<vmem>> -> memref<50xi32, #tpu.memory_space<vmem>>
    %dma_start3A_71 = arith.constant 0 : i32
    %dma_start3A_72 = arith.constant 0 : i32
    %dma_start3A_73 = tpu.memref_slice %arg2[%dma_start3A_71, %dma_start3A_72] : memref<100000x128xf32, #tpu.memory_space<hbm>> -> memref<100000x128xf32, #tpu.memory_space<hbm>>
    tpu.enqueue_indirect_dma source(%dma_start3A_73 : memref<100000x128xf32, #tpu.memory_space<hbm>>) target(%dma_start3A_68 : memref<50x128xf32, #tpu.memory_space<vmem>>) offsets(%dma_start3A_70 : memref<50xi32, #tpu.memory_space<vmem>>) semaphore(%arg9 : memref<!tpu.dma_semaphore, #tpu.memory_space<semaphore_mem>>)
    %dma_start3A_74 = arith.constant 3 : i32
    %dma_start3A_75 = arith.constant 0 : i32
    %dma_start3A_76 = arith.constant 0 : i32
    %dma_start3A_77 = tpu.memref_slice %arg7[%dma_start3A_74, %dma_start3A_75, %dma_start3A_76] : memref<4x50x128xf32, #tpu.memory_space<vmem>> -> memref<1x50x128xf32, #tpu.memory_space<vmem>>
    %dma_start3A_78 = tpu.memref_squeeze %dma_start3A_77 : memref<1x50x128xf32, #tpu.memory_space<vmem>> -> memref<50x128xf32, #tpu.memory_space<vmem>>
    %dma_start3A_79 = arith.constant 448 : i32
    %dma_start3A_80 = tpu.memref_slice %arg5[%dma_start3A_79] : memref<8192xi32, #tpu.memory_space<vmem>> -> memref<50xi32, #tpu.memory_space<vmem>>
    %dma_start3A_81 = arith.constant 0 : i32
    %dma_start3A_82 = arith.constant 0 : i32
    %dma_start3A_83 = tpu.memref_slice %arg2[%dma_start3A_81, %dma_start3A_82] : memref<100000x128xf32, #tpu.memory_space<hbm>> -> memref<100000x128xf32, #tpu.memory_space<hbm>>
    tpu.enqueue_indirect_dma source(%dma_start3A_83 : memref<100000x128xf32, #tpu.memory_space<hbm>>) target(%dma_start3A_78 : memref<50x128xf32, #tpu.memory_space<vmem>>) offsets(%dma_start3A_80 : memref<50xi32, #tpu.memory_space<vmem>>) semaphore(%arg9 : memref<!tpu.dma_semaphore, #tpu.memory_space<semaphore_mem>>)
    %scan3A = arith.constant 0 : i32
    %scan3A_84 = arith.constant 0 : i32
    %scan3A_85 = arith.constant 15 : i32
    %scan3A_86 = arith.addi %scan3A_84, %scan3A_85 : i32
    %scan3A_87 = arith.constant 1 : i32
    scf.for %scan3A_260 = %scan3A_84 to %scan3A_86 step %scan3A_87  : i32 {
      %mul3A_261 = arith.constant 2 : i32
      %mul3A_262 = arith.muli %mul3A_261, %scan3A_260 : i32
      %dma_wait3A_263 = arith.constant 0 : i32
      %dma_wait3A_264 = arith.constant 0 : i32
      %dma_wait3A_265 = arith.constant 0 : i32
      %dma_wait3A_266 = arith.constant 0 : i32
      %dma_wait3A_267 = tpu.memref_slice %arg6[%dma_wait3A_264, %dma_wait3A_265, %dma_wait3A_266] : memref<4x50x128xf32, #tpu.memory_space<vmem>> -> memref<1x50x128xf32, #tpu.memory_space<vmem>>
      %dma_wait3A_268 = tpu.memref_squeeze %dma_wait3A_267 : memref<1x50x128xf32, #tpu.memory_space<vmem>> -> memref<50x128xf32, #tpu.memory_space<vmem>>
      %dma_wait3A_269 = arith.constant 0 : i32
      %dma_wait3A_270 = arith.constant 0 : i32
      %dma_wait3A_271 = tpu.memref_slice %arg4[%dma_wait3A_263, %dma_wait3A_269, %dma_wait3A_270] : memref<4096x50x128xf32, #tpu.memory_space<hbm>> -> memref<1x50x128xf32, #tpu.memory_space<hbm>>
      %dma_wait3A_272 = tpu.memref_squeeze %dma_wait3A_271 : memref<1x50x128xf32, #tpu.memory_space<hbm>> -> memref<50x128xf32, #tpu.memory_space<hbm>>
      %dma_wait3A_273 = arith.constant 0 : i32
      %dma_wait3A_274 = arith.constant 0 : i32
      %dma_wait3A_275 = tpu.memref_slice %arg6[%dma_wait3A_264, %dma_wait3A_273, %dma_wait3A_274] : memref<4x50x128xf32, #tpu.memory_space<vmem>> -> memref<1x50x128xf32, #tpu.memory_space<vmem>>
      %dma_wait3A_276 = tpu.memref_squeeze %dma_wait3A_275 : memref<1x50x128xf32, #tpu.memory_space<vmem>> -> memref<50x128xf32, #tpu.memory_space<vmem>>
      %dma_wait3A_277 = arith.constant 0 : i32
      %dma_wait3A_278 = arith.constant 0 : i32
      %dma_wait3A_279 = tpu.memref_slice %arg4[%dma_wait3A_263, %dma_wait3A_277, %dma_wait3A_278] : memref<4096x50x128xf32, #tpu.memory_space<hbm>> -> memref<1x50x128xf32, #tpu.memory_space<hbm>>
      %dma_wait3A_280 = tpu.memref_squeeze %dma_wait3A_279 : memref<1x50x128xf32, #tpu.memory_space<hbm>> -> memref<50x128xf32, #tpu.memory_space<hbm>>
      tpu.wait_dma2 semaphore(%arg8 : memref<!tpu.dma_semaphore, #tpu.memory_space<semaphore_mem>>) src(%dma_wait3A_280 : memref<50x128xf32, #tpu.memory_space<hbm>>) dst(%dma_wait3A_276 : memref<50x128xf32, #tpu.memory_space<vmem>>)
      %dma_wait3A_281 = arith.constant 0 : i32
      %dma_wait3A_282 = arith.constant 1 : i32
      %dma_wait3A_283 = arith.constant 0 : i32
      %dma_wait3A_284 = arith.constant 0 : i32
      %dma_wait3A_285 = tpu.memref_slice %arg6[%dma_wait3A_282, %dma_wait3A_283, %dma_wait3A_284] : memref<4x50x128xf32, #tpu.memory_space<vmem>> -> memref<1x50x128xf32, #tpu.memory_space<vmem>>
      %dma_wait3A_286 = tpu.memref_squeeze %dma_wait3A_285 : memref<1x50x128xf32, #tpu.memory_space<vmem>> -> memref<50x128xf32, #tpu.memory_space<vmem>>
      %dma_wait3A_287 = arith.constant 0 : i32
      %dma_wait3A_288 = arith.constant 0 : i32
      %dma_wait3A_289 = tpu.memref_slice %arg4[%dma_wait3A_281, %dma_wait3A_287, %dma_wait3A_288] : memref<4096x50x128xf32, #tpu.memory_space<hbm>> -> memref<1x50x128xf32, #tpu.memory_space<hbm>>
      %dma_wait3A_290 = tpu.memref_squeeze %dma_wait3A_289 : memref<1x50x128xf32, #tpu.memory_space<hbm>> -> memref<50x128xf32, #tpu.memory_space<hbm>>
      %dma_wait3A_291 = arith.constant 0 : i32
      %dma_wait3A_292 = arith.constant 0 : i32
      %dma_wait3A_293 = tpu.memref_slice %arg6[%dma_wait3A_282, %dma_wait3A_291, %dma_wait3A_292] : memref<4x50x128xf32, #tpu.memory_space<vmem>> -> memref<1x50x128xf32, #tpu.memory_space<vmem>>
      %dma_wait3A_294 = tpu.memref_squeeze %dma_wait3A_293 : memref<1x50x128xf32, #tpu.memory_space<vmem>> -> memref<50x128xf32, #tpu.memory_space<vmem>>
      %dma_wait3A_295 = arith.constant 0 : i32
      %dma_wait3A_296 = arith.constant 0 : i32
      %dma_wait3A_297 = tpu.memref_slice %arg4[%dma_wait3A_281, %dma_wait3A_295, %dma_wait3A_296] : memref<4096x50x128xf32, #tpu.memory_space<hbm>> -> memref<1x50x128xf32, #tpu.memory_space<hbm>>
      %dma_wait3A_298 = tpu.memref_squeeze %dma_wait3A_297 : memref<1x50x128xf32, #tpu.memory_space<hbm>> -> memref<50x128xf32, #tpu.memory_space<hbm>>
      tpu.wait_dma2 semaphore(%arg8 : memref<!tpu.dma_semaphore, #tpu.memory_space<semaphore_mem>>) src(%dma_wait3A_298 : memref<50x128xf32, #tpu.memory_space<hbm>>) dst(%dma_wait3A_294 : memref<50x128xf32, #tpu.memory_space<vmem>>)
      %dma_wait3A_299 = arith.constant 0 : i32
      %dma_wait3A_300 = arith.constant 2 : i32
      %dma_wait3A_301 = arith.constant 0 : i32
      %dma_wait3A_302 = arith.constant 0 : i32
      %dma_wait3A_303 = tpu.memref_slice %arg6[%dma_wait3A_300, %dma_wait3A_301, %dma_wait3A_302] : memref<4x50x128xf32, #tpu.memory_space<vmem>> -> memref<1x50x128xf32, #tpu.memory_space<vmem>>
      %dma_wait3A_304 = tpu.memref_squeeze %dma_wait3A_303 : memref<1x50x128xf32, #tpu.memory_space<vmem>> -> memref<50x128xf32, #tpu.memory_space<vmem>>
      %dma_wait3A_305 = arith.constant 0 : i32
      %dma_wait3A_306 = arith.constant 0 : i32
      %dma_wait3A_307 = tpu.memref_slice %arg4[%dma_wait3A_299, %dma_wait3A_305, %dma_wait3A_306] : memref<4096x50x128xf32, #tpu.memory_space<hbm>> -> memref<1x50x128xf32, #tpu.memory_space<hbm>>
      %dma_wait3A_308 = tpu.memref_squeeze %dma_wait3A_307 : memref<1x50x128xf32, #tpu.memory_space<hbm>> -> memref<50x128xf32, #tpu.memory_space<hbm>>
      %dma_wait3A_309 = arith.constant 0 : i32
      %dma_wait3A_310 = arith.constant 0 : i32
      %dma_wait3A_311 = tpu.memref_slice %arg6[%dma_wait3A_300, %dma_wait3A_309, %dma_wait3A_310] : memref<4x50x128xf32, #tpu.memory_space<vmem>> -> memref<1x50x128xf32, #tpu.memory_space<vmem>>
      %dma_wait3A_312 = tpu.memref_squeeze %dma_wait3A_311 : memref<1x50x128xf32, #tpu.memory_space<vmem>> -> memref<50x128xf32, #tpu.memory_space<vmem>>
      %dma_wait3A_313 = arith.constant 0 : i32
      %dma_wait3A_314 = arith.constant 0 : i32
      %dma_wait3A_315 = tpu.memref_slice %arg4[%dma_wait3A_299, %dma_wait3A_313, %dma_wait3A_314] : memref<4096x50x128xf32, #tpu.memory_space<hbm>> -> memref<1x50x128xf32, #tpu.memory_space<hbm>>
      %dma_wait3A_316 = tpu.memref_squeeze %dma_wait3A_315 : memref<1x50x128xf32, #tpu.memory_space<hbm>> -> memref<50x128xf32, #tpu.memory_space<hbm>>
      tpu.wait_dma2 semaphore(%arg8 : memref<!tpu.dma_semaphore, #tpu.memory_space<semaphore_mem>>) src(%dma_wait3A_316 : memref<50x128xf32, #tpu.memory_space<hbm>>) dst(%dma_wait3A_312 : memref<50x128xf32, #tpu.memory_space<vmem>>)
      %dma_wait3A_317 = arith.constant 0 : i32
      %dma_wait3A_318 = arith.constant 3 : i32
      %dma_wait3A_319 = arith.constant 0 : i32
      %dma_wait3A_320 = arith.constant 0 : i32
      %dma_wait3A_321 = tpu.memref_slice %arg6[%dma_wait3A_318, %dma_wait3A_319, %dma_wait3A_320] : memref<4x50x128xf32, #tpu.memory_space<vmem>> -> memref<1x50x128xf32, #tpu.memory_space<vmem>>
      %dma_wait3A_322 = tpu.memref_squeeze %dma_wait3A_321 : memref<1x50x128xf32, #tpu.memory_space<vmem>> -> memref<50x128xf32, #tpu.memory_space<vmem>>
      %dma_wait3A_323 = arith.constant 0 : i32
      %dma_wait3A_324 = arith.constant 0 : i32
      %dma_wait3A_325 = tpu.memref_slice %arg4[%dma_wait3A_317, %dma_wait3A_323, %dma_wait3A_324] : memref<4096x50x128xf32, #tpu.memory_space<hbm>> -> memref<1x50x128xf32, #tpu.memory_space<hbm>>
      %dma_wait3A_326 = tpu.memref_squeeze %dma_wait3A_325 : memref<1x50x128xf32, #tpu.memory_space<hbm>> -> memref<50x128xf32, #tpu.memory_space<hbm>>
      %dma_wait3A_327 = arith.constant 0 : i32
      %dma_wait3A_328 = arith.constant 0 : i32
      %dma_wait3A_329 = tpu.memref_slice %arg6[%dma_wait3A_318, %dma_wait3A_327, %dma_wait3A_328] : memref<4x50x128xf32, #tpu.memory_space<vmem>> -> memref<1x50x128xf32, #tpu.memory_space<vmem>>
      %dma_wait3A_330 = tpu.memref_squeeze %dma_wait3A_329 : memref<1x50x128xf32, #tpu.memory_space<vmem>> -> memref<50x128xf32, #tpu.memory_space<vmem>>
      %dma_wait3A_331 = arith.constant 0 : i32
      %dma_wait3A_332 = arith.constant 0 : i32
      %dma_wait3A_333 = tpu.memref_slice %arg4[%dma_wait3A_317, %dma_wait3A_331, %dma_wait3A_332] : memref<4096x50x128xf32, #tpu.memory_space<hbm>> -> memref<1x50x128xf32, #tpu.memory_space<hbm>>
      %dma_wait3A_334 = tpu.memref_squeeze %dma_wait3A_333 : memref<1x50x128xf32, #tpu.memory_space<hbm>> -> memref<50x128xf32, #tpu.memory_space<hbm>>
      tpu.wait_dma2 semaphore(%arg8 : memref<!tpu.dma_semaphore, #tpu.memory_space<semaphore_mem>>) src(%dma_wait3A_334 : memref<50x128xf32, #tpu.memory_space<hbm>>) dst(%dma_wait3A_330 : memref<50x128xf32, #tpu.memory_space<vmem>>)
      %mul3A_335 = arith.constant 4 : i32
      %mul3A_336 = arith.muli %mul3A_262, %mul3A_335 : i32
      %add3A_337 = arith.addi %mul3A_2, %mul3A_336 : i32
      %dma_start3A_338 = arith.constant 0 : i32
      %dma_start3A_339 = arith.constant 0 : i32
      %dma_start3A_340 = tpu.memref_slice %arg4[%add3A_337, %dma_start3A_338, %dma_start3A_339] : memref<4096x50x128xf32, #tpu.memory_space<hbm>> -> memref<4x50x128xf32, #tpu.memory_space<hbm>>
      %dma_start3A_341 = arith.constant 0 : i32
      %dma_start3A_342 = arith.constant 0 : i32
      %dma_start3A_343 = tpu.memref_slice %arg4[%add3A_337, %dma_start3A_341, %dma_start3A_342] : memref<4096x50x128xf32, #tpu.memory_space<hbm>> -> memref<4x50x128xf32, #tpu.memory_space<hbm>>
      tpu.enqueue_dma source(%arg6 : memref<4x50x128xf32, #tpu.memory_space<vmem>>) target(%dma_start3A_343 : memref<4x50x128xf32, #tpu.memory_space<hbm>>) target_semaphore(%arg10 : memref<!tpu.dma_semaphore, #tpu.memory_space<semaphore_mem>>)
      %dma_wait3A_344 = arith.constant 0 : i32
      %dma_wait3A_345 = arith.constant 0 : i32
      %dma_wait3A_346 = arith.constant 0 : i32
      %dma_wait3A_347 = arith.constant 0 : i32
      %dma_wait3A_348 = tpu.memref_slice %arg7[%dma_wait3A_345, %dma_wait3A_346, %dma_wait3A_347] : memref<4x50x128xf32, #tpu.memory_space<vmem>> -> memref<1x50x128xf32, #tpu.memory_space<vmem>>
      %dma_wait3A_349 = tpu.memref_squeeze %dma_wait3A_348 : memref<1x50x128xf32, #tpu.memory_space<vmem>> -> memref<50x128xf32, #tpu.memory_space<vmem>>
      %dma_wait3A_350 = arith.constant 0 : i32
      %dma_wait3A_351 = arith.constant 0 : i32
      %dma_wait3A_352 = tpu.memref_slice %arg4[%dma_wait3A_344, %dma_wait3A_350, %dma_wait3A_351] : memref<4096x50x128xf32, #tpu.memory_space<hbm>> -> memref<1x50x128xf32, #tpu.memory_space<hbm>>
      %dma_wait3A_353 = tpu.memref_squeeze %dma_wait3A_352 : memref<1x50x128xf32, #tpu.memory_space<hbm>> -> memref<50x128xf32, #tpu.memory_space<hbm>>
      %dma_wait3A_354 = arith.constant 0 : i32
      %dma_wait3A_355 = arith.constant 0 : i32
      %dma_wait3A_356 = tpu.memref_slice %arg7[%dma_wait3A_345, %dma_wait3A_354, %dma_wait3A_355] : memref<4x50x128xf32, #tpu.memory_space<vmem>> -> memref<1x50x128xf32, #tpu.memory_space<vmem>>
      %dma_wait3A_357 = tpu.memref_squeeze %dma_wait3A_356 : memref<1x50x128xf32, #tpu.memory_space<vmem>> -> memref<50x128xf32, #tpu.memory_space<vmem>>
      %dma_wait3A_358 = arith.constant 0 : i32
      %dma_wait3A_359 = arith.constant 0 : i32
      %dma_wait3A_360 = tpu.memref_slice %arg4[%dma_wait3A_344, %dma_wait3A_358, %dma_wait3A_359] : memref<4096x50x128xf32, #tpu.memory_space<hbm>> -> memref<1x50x128xf32, #tpu.memory_space<hbm>>
      %dma_wait3A_361 = tpu.memref_squeeze %dma_wait3A_360 : memref<1x50x128xf32, #tpu.memory_space<hbm>> -> memref<50x128xf32, #tpu.memory_space<hbm>>
      tpu.wait_dma2 semaphore(%arg9 : memref<!tpu.dma_semaphore, #tpu.memory_space<semaphore_mem>>) src(%dma_wait3A_361 : memref<50x128xf32, #tpu.memory_space<hbm>>) dst(%dma_wait3A_357 : memref<50x128xf32, #tpu.memory_space<vmem>>)
      %dma_wait3A_362 = arith.constant 0 : i32
      %dma_wait3A_363 = arith.constant 1 : i32
      %dma_wait3A_364 = arith.constant 0 : i32
      %dma_wait3A_365 = arith.constant 0 : i32
      %dma_wait3A_366 = tpu.memref_slice %arg7[%dma_wait3A_363, %dma_wait3A_364, %dma_wait3A_365] : memref<4x50x128xf32, #tpu.memory_space<vmem>> -> memref<1x50x128xf32, #tpu.memory_space<vmem>>
      %dma_wait3A_367 = tpu.memref_squeeze %dma_wait3A_366 : memref<1x50x128xf32, #tpu.memory_space<vmem>> -> memref<50x128xf32, #tpu.memory_space<vmem>>
      %dma_wait3A_368 = arith.constant 0 : i32
      %dma_wait3A_369 = arith.constant 0 : i32
      %dma_wait3A_370 = tpu.memref_slice %arg4[%dma_wait3A_362, %dma_wait3A_368, %dma_wait3A_369] : memref<4096x50x128xf32, #tpu.memory_space<hbm>> -> memref<1x50x128xf32, #tpu.memory_space<hbm>>
      %dma_wait3A_371 = tpu.memref_squeeze %dma_wait3A_370 : memref<1x50x128xf32, #tpu.memory_space<hbm>> -> memref<50x128xf32, #tpu.memory_space<hbm>>
      %dma_wait3A_372 = arith.constant 0 : i32
      %dma_wait3A_373 = arith.constant 0 : i32
      %dma_wait3A_374 = tpu.memref_slice %arg7[%dma_wait3A_363, %dma_wait3A_372, %dma_wait3A_373] : memref<4x50x128xf32, #tpu.memory_space<vmem>> -> memref<1x50x128xf32, #tpu.memory_space<vmem>>
      %dma_wait3A_375 = tpu.memref_squeeze %dma_wait3A_374 : memref<1x50x128xf32, #tpu.memory_space<vmem>> -> memref<50x128xf32, #tpu.memory_space<vmem>>
      %dma_wait3A_376 = arith.constant 0 : i32
      %dma_wait3A_377 = arith.constant 0 : i32
      %dma_wait3A_378 = tpu.memref_slice %arg4[%dma_wait3A_362, %dma_wait3A_376, %dma_wait3A_377] : memref<4096x50x128xf32, #tpu.memory_space<hbm>> -> memref<1x50x128xf32, #tpu.memory_space<hbm>>
      %dma_wait3A_379 = tpu.memref_squeeze %dma_wait3A_378 : memref<1x50x128xf32, #tpu.memory_space<hbm>> -> memref<50x128xf32, #tpu.memory_space<hbm>>
      tpu.wait_dma2 semaphore(%arg9 : memref<!tpu.dma_semaphore, #tpu.memory_space<semaphore_mem>>) src(%dma_wait3A_379 : memref<50x128xf32, #tpu.memory_space<hbm>>) dst(%dma_wait3A_375 : memref<50x128xf32, #tpu.memory_space<vmem>>)
      %dma_wait3A_380 = arith.constant 0 : i32
      %dma_wait3A_381 = arith.constant 2 : i32
      %dma_wait3A_382 = arith.constant 0 : i32
      %dma_wait3A_383 = arith.constant 0 : i32
      %dma_wait3A_384 = tpu.memref_slice %arg7[%dma_wait3A_381, %dma_wait3A_382, %dma_wait3A_383] : memref<4x50x128xf32, #tpu.memory_space<vmem>> -> memref<1x50x128xf32, #tpu.memory_space<vmem>>
      %dma_wait3A_385 = tpu.memref_squeeze %dma_wait3A_384 : memref<1x50x128xf32, #tpu.memory_space<vmem>> -> memref<50x128xf32, #tpu.memory_space<vmem>>
      %dma_wait3A_386 = arith.constant 0 : i32
      %dma_wait3A_387 = arith.constant 0 : i32
      %dma_wait3A_388 = tpu.memref_slice %arg4[%dma_wait3A_380, %dma_wait3A_386, %dma_wait3A_387] : memref<4096x50x128xf32, #tpu.memory_space<hbm>> -> memref<1x50x128xf32, #tpu.memory_space<hbm>>
      %dma_wait3A_389 = tpu.memref_squeeze %dma_wait3A_388 : memref<1x50x128xf32, #tpu.memory_space<hbm>> -> memref<50x128xf32, #tpu.memory_space<hbm>>
      %dma_wait3A_390 = arith.constant 0 : i32
      %dma_wait3A_391 = arith.constant 0 : i32
      %dma_wait3A_392 = tpu.memref_slice %arg7[%dma_wait3A_381, %dma_wait3A_390, %dma_wait3A_391] : memref<4x50x128xf32, #tpu.memory_space<vmem>> -> memref<1x50x128xf32, #tpu.memory_space<vmem>>
      %dma_wait3A_393 = tpu.memref_squeeze %dma_wait3A_392 : memref<1x50x128xf32, #tpu.memory_space<vmem>> -> memref<50x128xf32, #tpu.memory_space<vmem>>
      %dma_wait3A_394 = arith.constant 0 : i32
      %dma_wait3A_395 = arith.constant 0 : i32
      %dma_wait3A_396 = tpu.memref_slice %arg4[%dma_wait3A_380, %dma_wait3A_394, %dma_wait3A_395] : memref<4096x50x128xf32, #tpu.memory_space<hbm>> -> memref<1x50x128xf32, #tpu.memory_space<hbm>>
      %dma_wait3A_397 = tpu.memref_squeeze %dma_wait3A_396 : memref<1x50x128xf32, #tpu.memory_space<hbm>> -> memref<50x128xf32, #tpu.memory_space<hbm>>
      tpu.wait_dma2 semaphore(%arg9 : memref<!tpu.dma_semaphore, #tpu.memory_space<semaphore_mem>>) src(%dma_wait3A_397 : memref<50x128xf32, #tpu.memory_space<hbm>>) dst(%dma_wait3A_393 : memref<50x128xf32, #tpu.memory_space<vmem>>)
      %dma_wait3A_398 = arith.constant 0 : i32
      %dma_wait3A_399 = arith.constant 3 : i32
      %dma_wait3A_400 = arith.constant 0 : i32
      %dma_wait3A_401 = arith.constant 0 : i32
      %dma_wait3A_402 = tpu.memref_slice %arg7[%dma_wait3A_399, %dma_wait3A_400, %dma_wait3A_401] : memref<4x50x128xf32, #tpu.memory_space<vmem>> -> memref<1x50x128xf32, #tpu.memory_space<vmem>>
      %dma_wait3A_403 = tpu.memref_squeeze %dma_wait3A_402 : memref<1x50x128xf32, #tpu.memory_space<vmem>> -> memref<50x128xf32, #tpu.memory_space<vmem>>
      %dma_wait3A_404 = arith.constant 0 : i32
      %dma_wait3A_405 = arith.constant 0 : i32
      %dma_wait3A_406 = tpu.memref_slice %arg4[%dma_wait3A_398, %dma_wait3A_404, %dma_wait3A_405] : memref<4096x50x128xf32, #tpu.memory_space<hbm>> -> memref<1x50x128xf32, #tpu.memory_space<hbm>>
      %dma_wait3A_407 = tpu.memref_squeeze %dma_wait3A_406 : memref<1x50x128xf32, #tpu.memory_space<hbm>> -> memref<50x128xf32, #tpu.memory_space<hbm>>
      %dma_wait3A_408 = arith.constant 0 : i32
      %dma_wait3A_409 = arith.constant 0 : i32
      %dma_wait3A_410 = tpu.memref_slice %arg7[%dma_wait3A_399, %dma_wait3A_408, %dma_wait3A_409] : memref<4x50x128xf32, #tpu.memory_space<vmem>> -> memref<1x50x128xf32, #tpu.memory_space<vmem>>
      %dma_wait3A_411 = tpu.memref_squeeze %dma_wait3A_410 : memref<1x50x128xf32, #tpu.memory_space<vmem>> -> memref<50x128xf32, #tpu.memory_space<vmem>>
      %dma_wait3A_412 = arith.constant 0 : i32
      %dma_wait3A_413 = arith.constant 0 : i32
      %dma_wait3A_414 = tpu.memref_slice %arg4[%dma_wait3A_398, %dma_wait3A_412, %dma_wait3A_413] : memref<4096x50x128xf32, #tpu.memory_space<hbm>> -> memref<1x50x128xf32, #tpu.memory_space<hbm>>
      %dma_wait3A_415 = tpu.memref_squeeze %dma_wait3A_414 : memref<1x50x128xf32, #tpu.memory_space<hbm>> -> memref<50x128xf32, #tpu.memory_space<hbm>>
      tpu.wait_dma2 semaphore(%arg9 : memref<!tpu.dma_semaphore, #tpu.memory_space<semaphore_mem>>) src(%dma_wait3A_415 : memref<50x128xf32, #tpu.memory_space<hbm>>) dst(%dma_wait3A_411 : memref<50x128xf32, #tpu.memory_space<vmem>>)
      %add3A_416 = arith.constant 1 : i32
      %add3A_417 = arith.addi %mul3A_262, %add3A_416 : i32
      %mul3A_418 = arith.constant 4 : i32
      %mul3A_419 = arith.muli %add3A_417, %mul3A_418 : i32
      %add3A_420 = arith.addi %mul3A_2, %mul3A_419 : i32
      %dma_start3A_421 = arith.constant 0 : i32
      %dma_start3A_422 = arith.constant 0 : i32
      %dma_start3A_423 = tpu.memref_slice %arg4[%add3A_420, %dma_start3A_421, %dma_start3A_422] : memref<4096x50x128xf32, #tpu.memory_space<hbm>> -> memref<4x50x128xf32, #tpu.memory_space<hbm>>
      %dma_start3A_424 = arith.constant 0 : i32
      %dma_start3A_425 = arith.constant 0 : i32
      %dma_start3A_426 = tpu.memref_slice %arg4[%add3A_420, %dma_start3A_424, %dma_start3A_425] : memref<4096x50x128xf32, #tpu.memory_space<hbm>> -> memref<4x50x128xf32, #tpu.memory_space<hbm>>
      tpu.enqueue_dma source(%arg7 : memref<4x50x128xf32, #tpu.memory_space<vmem>>) target(%dma_start3A_426 : memref<4x50x128xf32, #tpu.memory_space<hbm>>) target_semaphore(%arg11 : memref<!tpu.dma_semaphore, #tpu.memory_space<semaphore_mem>>)
      %dma_wait3A_427 = arith.constant 0 : i32
      %dma_wait3A_428 = arith.constant 0 : i32
      %dma_wait3A_429 = tpu.memref_slice %arg4[%mul3A_2, %dma_wait3A_427, %dma_wait3A_428] : memref<4096x50x128xf32, #tpu.memory_space<hbm>> -> memref<4x50x128xf32, #tpu.memory_space<hbm>>
      %dma_wait3A_430 = arith.constant 0 : i32
      %dma_wait3A_431 = arith.constant 0 : i32
      %dma_wait3A_432 = tpu.memref_slice %arg4[%mul3A_2, %dma_wait3A_430, %dma_wait3A_431] : memref<4096x50x128xf32, #tpu.memory_space<hbm>> -> memref<4x50x128xf32, #tpu.memory_space<hbm>>
      tpu.wait_dma2 semaphore(%arg10 : memref<!tpu.dma_semaphore, #tpu.memory_space<semaphore_mem>>) src(%arg6 : memref<4x50x128xf32, #tpu.memory_space<vmem>>) dst(%dma_wait3A_432 : memref<4x50x128xf32, #tpu.memory_space<hbm>>)
      %add3A_433 = arith.constant 2 : i32
      %add3A_434 = arith.addi %mul3A_262, %add3A_433 : i32
      %mul3A_435 = arith.constant 4 : i32
      %mul3A_436 = arith.muli %add3A_434, %mul3A_435 : i32
      %add3A_437 = arith.constant 0 : i32
      %add3A_438 = arith.addi %mul3A_436, %add3A_437 : i32
      %mul3A_439 = arith.constant 64 : i32
      %mul3A_440 = arith.muli %add3A_438, %mul3A_439 : i32
      %dma_start3A_441 = arith.constant 0 : i32
      %dma_start3A_442 = arith.constant 0 : i32
      %dma_start3A_443 = arith.constant 0 : i32
      %dma_start3A_444 = tpu.memref_slice %arg6[%dma_start3A_441, %dma_start3A_442, %dma_start3A_443] : memref<4x50x128xf32, #tpu.memory_space<vmem>> -> memref<1x50x128xf32, #tpu.memory_space<vmem>>
      %dma_start3A_445 = tpu.memref_squeeze %dma_start3A_444 : memref<1x50x128xf32, #tpu.memory_space<vmem>> -> memref<50x128xf32, #tpu.memory_space<vmem>>
      %dma_start3A_446 = tpu.memref_slice %arg5[%mul3A_440] : memref<8192xi32, #tpu.memory_space<vmem>> -> memref<50xi32, #tpu.memory_space<vmem>>
      %dma_start3A_447 = arith.constant 0 : i32
      %dma_start3A_448 = arith.constant 0 : i32
      %dma_start3A_449 = tpu.memref_slice %arg2[%dma_start3A_447, %dma_start3A_448] : memref<100000x128xf32, #tpu.memory_space<hbm>> -> memref<100000x128xf32, #tpu.memory_space<hbm>>
      tpu.enqueue_indirect_dma source(%dma_start3A_449 : memref<100000x128xf32, #tpu.memory_space<hbm>>) target(%dma_start3A_445 : memref<50x128xf32, #tpu.memory_space<vmem>>) offsets(%dma_start3A_446 : memref<50xi32, #tpu.memory_space<vmem>>) semaphore(%arg8 : memref<!tpu.dma_semaphore, #tpu.memory_space<semaphore_mem>>)
      %mul3A_450 = arith.constant 4 : i32
      %mul3A_451 = arith.muli %add3A_434, %mul3A_450 : i32
      %add3A_452 = arith.constant 1 : i32
      %add3A_453 = arith.addi %mul3A_451, %add3A_452 : i32
      %mul3A_454 = arith.constant 64 : i32
      %mul3A_455 = arith.muli %add3A_453, %mul3A_454 : i32
      %dma_start3A_456 = arith.constant 1 : i32
      %dma_start3A_457 = arith.constant 0 : i32
      %dma_start3A_458 = arith.constant 0 : i32
      %dma_start3A_459 = tpu.memref_slice %arg6[%dma_start3A_456, %dma_start3A_457, %dma_start3A_458] : memref<4x50x128xf32, #tpu.memory_space<vmem>> -> memref<1x50x128xf32, #tpu.memory_space<vmem>>
      %dma_start3A_460 = tpu.memref_squeeze %dma_start3A_459 : memref<1x50x128xf32, #tpu.memory_space<vmem>> -> memref<50x128xf32, #tpu.memory_space<vmem>>
      %dma_start3A_461 = tpu.memref_slice %arg5[%mul3A_455] : memref<8192xi32, #tpu.memory_space<vmem>> -> memref<50xi32, #tpu.memory_space<vmem>>
      %dma_start3A_462 = arith.constant 0 : i32
      %dma_start3A_463 = arith.constant 0 : i32
      %dma_start3A_464 = tpu.memref_slice %arg2[%dma_start3A_462, %dma_start3A_463] : memref<100000x128xf32, #tpu.memory_space<hbm>> -> memref<100000x128xf32, #tpu.memory_space<hbm>>
      tpu.enqueue_indirect_dma source(%dma_start3A_464 : memref<100000x128xf32, #tpu.memory_space<hbm>>) target(%dma_start3A_460 : memref<50x128xf32, #tpu.memory_space<vmem>>) offsets(%dma_start3A_461 : memref<50xi32, #tpu.memory_space<vmem>>) semaphore(%arg8 : memref<!tpu.dma_semaphore, #tpu.memory_space<semaphore_mem>>)
      %mul3A_465 = arith.constant 4 : i32
      %mul3A_466 = arith.muli %add3A_434, %mul3A_465 : i32
      %add3A_467 = arith.constant 2 : i32
      %add3A_468 = arith.addi %mul3A_466, %add3A_467 : i32
      %mul3A_469 = arith.constant 64 : i32
      %mul3A_470 = arith.muli %add3A_468, %mul3A_469 : i32
      %dma_start3A_471 = arith.constant 2 : i32
      %dma_start3A_472 = arith.constant 0 : i32
      %dma_start3A_473 = arith.constant 0 : i32
      %dma_start3A_474 = tpu.memref_slice %arg6[%dma_start3A_471, %dma_start3A_472, %dma_start3A_473] : memref<4x50x128xf32, #tpu.memory_space<vmem>> -> memref<1x50x128xf32, #tpu.memory_space<vmem>>
      %dma_start3A_475 = tpu.memref_squeeze %dma_start3A_474 : memref<1x50x128xf32, #tpu.memory_space<vmem>> -> memref<50x128xf32, #tpu.memory_space<vmem>>
      %dma_start3A_476 = tpu.memref_slice %arg5[%mul3A_470] : memref<8192xi32, #tpu.memory_space<vmem>> -> memref<50xi32, #tpu.memory_space<vmem>>
      %dma_start3A_477 = arith.constant 0 : i32
      %dma_start3A_478 = arith.constant 0 : i32
      %dma_start3A_479 = tpu.memref_slice %arg2[%dma_start3A_477, %dma_start3A_478] : memref<100000x128xf32, #tpu.memory_space<hbm>> -> memref<100000x128xf32, #tpu.memory_space<hbm>>
      tpu.enqueue_indirect_dma source(%dma_start3A_479 : memref<100000x128xf32, #tpu.memory_space<hbm>>) target(%dma_start3A_475 : memref<50x128xf32, #tpu.memory_space<vmem>>) offsets(%dma_start3A_476 : memref<50xi32, #tpu.memory_space<vmem>>) semaphore(%arg8 : memref<!tpu.dma_semaphore, #tpu.memory_space<semaphore_mem>>)
      %mul3A_480 = arith.constant 4 : i32
      %mul3A_481 = arith.muli %add3A_434, %mul3A_480 : i32
      %add3A_482 = arith.constant 3 : i32
      %add3A_483 = arith.addi %mul3A_481, %add3A_482 : i32
      %mul3A_484 = arith.constant 64 : i32
      %mul3A_485 = arith.muli %add3A_483, %mul3A_484 : i32
      %dma_start3A_486 = arith.constant 3 : i32
      %dma_start3A_487 = arith.constant 0 : i32
      %dma_start3A_488 = arith.constant 0 : i32
      %dma_start3A_489 = tpu.memref_slice %arg6[%dma_start3A_486, %dma_start3A_487, %dma_start3A_488] : memref<4x50x128xf32, #tpu.memory_space<vmem>> -> memref<1x50x128xf32, #tpu.memory_space<vmem>>
      %dma_start3A_490 = tpu.memref_squeeze %dma_start3A_489 : memref<1x50x128xf32, #tpu.memory_space<vmem>> -> memref<50x128xf32, #tpu.memory_space<vmem>>
      %dma_start3A_491 = tpu.memref_slice %arg5[%mul3A_485] : memref<8192xi32, #tpu.memory_space<vmem>> -> memref<50xi32, #tpu.memory_space<vmem>>
      %dma_start3A_492 = arith.constant 0 : i32
      %dma_start3A_493 = arith.constant 0 : i32
      %dma_start3A_494 = tpu.memref_slice %arg2[%dma_start3A_492, %dma_start3A_493] : memref<100000x128xf32, #tpu.memory_space<hbm>> -> memref<100000x128xf32, #tpu.memory_space<hbm>>
      tpu.enqueue_indirect_dma source(%dma_start3A_494 : memref<100000x128xf32, #tpu.memory_space<hbm>>) target(%dma_start3A_490 : memref<50x128xf32, #tpu.memory_space<vmem>>) offsets(%dma_start3A_491 : memref<50xi32, #tpu.memory_space<vmem>>) semaphore(%arg8 : memref<!tpu.dma_semaphore, #tpu.memory_space<semaphore_mem>>)
      %dma_wait3A_495 = arith.constant 0 : i32
      %dma_wait3A_496 = arith.constant 0 : i32
      %dma_wait3A_497 = tpu.memref_slice %arg4[%mul3A_2, %dma_wait3A_495, %dma_wait3A_496] : memref<4096x50x128xf32, #tpu.memory_space<hbm>> -> memref<4x50x128xf32, #tpu.memory_space<hbm>>
      %dma_wait3A_498 = arith.constant 0 : i32
      %dma_wait3A_499 = arith.constant 0 : i32
      %dma_wait3A_500 = tpu.memref_slice %arg4[%mul3A_2, %dma_wait3A_498, %dma_wait3A_499] : memref<4096x50x128xf32, #tpu.memory_space<hbm>> -> memref<4x50x128xf32, #tpu.memory_space<hbm>>
      tpu.wait_dma2 semaphore(%arg11 : memref<!tpu.dma_semaphore, #tpu.memory_space<semaphore_mem>>) src(%arg7 : memref<4x50x128xf32, #tpu.memory_space<vmem>>) dst(%dma_wait3A_500 : memref<4x50x128xf32, #tpu.memory_space<hbm>>)
      %add3A_501 = arith.constant 3 : i32
      %add3A_502 = arith.addi %mul3A_262, %add3A_501 : i32
      %mul3A_503 = arith.constant 4 : i32
      %mul3A_504 = arith.muli %add3A_502, %mul3A_503 : i32
      %add3A_505 = arith.constant 0 : i32
      %add3A_506 = arith.addi %mul3A_504, %add3A_505 : i32
      %mul3A_507 = arith.constant 64 : i32
      %mul3A_508 = arith.muli %add3A_506, %mul3A_507 : i32
      %dma_start3A_509 = arith.constant 0 : i32
      %dma_start3A_510 = arith.constant 0 : i32
      %dma_start3A_511 = arith.constant 0 : i32
      %dma_start3A_512 = tpu.memref_slice %arg7[%dma_start3A_509, %dma_start3A_510, %dma_start3A_511] : memref<4x50x128xf32, #tpu.memory_space<vmem>> -> memref<1x50x128xf32, #tpu.memory_space<vmem>>
      %dma_start3A_513 = tpu.memref_squeeze %dma_start3A_512 : memref<1x50x128xf32, #tpu.memory_space<vmem>> -> memref<50x128xf32, #tpu.memory_space<vmem>>
      %dma_start3A_514 = tpu.memref_slice %arg5[%mul3A_508] : memref<8192xi32, #tpu.memory_space<vmem>> -> memref<50xi32, #tpu.memory_space<vmem>>
      %dma_start3A_515 = arith.constant 0 : i32
      %dma_start3A_516 = arith.constant 0 : i32
      %dma_start3A_517 = tpu.memref_slice %arg2[%dma_start3A_515, %dma_start3A_516] : memref<100000x128xf32, #tpu.memory_space<hbm>> -> memref<100000x128xf32, #tpu.memory_space<hbm>>
      tpu.enqueue_indirect_dma source(%dma_start3A_517 : memref<100000x128xf32, #tpu.memory_space<hbm>>) target(%dma_start3A_513 : memref<50x128xf32, #tpu.memory_space<vmem>>) offsets(%dma_start3A_514 : memref<50xi32, #tpu.memory_space<vmem>>) semaphore(%arg9 : memref<!tpu.dma_semaphore, #tpu.memory_space<semaphore_mem>>)
      %mul3A_518 = arith.constant 4 : i32
      %mul3A_519 = arith.muli %add3A_502, %mul3A_518 : i32
      %add3A_520 = arith.constant 1 : i32
      %add3A_521 = arith.addi %mul3A_519, %add3A_520 : i32
      %mul3A_522 = arith.constant 64 : i32
      %mul3A_523 = arith.muli %add3A_521, %mul3A_522 : i32
      %dma_start3A_524 = arith.constant 1 : i32
      %dma_start3A_525 = arith.constant 0 : i32
      %dma_start3A_526 = arith.constant 0 : i32
      %dma_start3A_527 = tpu.memref_slice %arg7[%dma_start3A_524, %dma_start3A_525, %dma_start3A_526] : memref<4x50x128xf32, #tpu.memory_space<vmem>> -> memref<1x50x128xf32, #tpu.memory_space<vmem>>
      %dma_start3A_528 = tpu.memref_squeeze %dma_start3A_527 : memref<1x50x128xf32, #tpu.memory_space<vmem>> -> memref<50x128xf32, #tpu.memory_space<vmem>>
      %dma_start3A_529 = tpu.memref_slice %arg5[%mul3A_523] : memref<8192xi32, #tpu.memory_space<vmem>> -> memref<50xi32, #tpu.memory_space<vmem>>
      %dma_start3A_530 = arith.constant 0 : i32
      %dma_start3A_531 = arith.constant 0 : i32
      %dma_start3A_532 = tpu.memref_slice %arg2[%dma_start3A_530, %dma_start3A_531] : memref<100000x128xf32, #tpu.memory_space<hbm>> -> memref<100000x128xf32, #tpu.memory_space<hbm>>
      tpu.enqueue_indirect_dma source(%dma_start3A_532 : memref<100000x128xf32, #tpu.memory_space<hbm>>) target(%dma_start3A_528 : memref<50x128xf32, #tpu.memory_space<vmem>>) offsets(%dma_start3A_529 : memref<50xi32, #tpu.memory_space<vmem>>) semaphore(%arg9 : memref<!tpu.dma_semaphore, #tpu.memory_space<semaphore_mem>>)
      %mul3A_533 = arith.constant 4 : i32
      %mul3A_534 = arith.muli %add3A_502, %mul3A_533 : i32
      %add3A_535 = arith.constant 2 : i32
      %add3A_536 = arith.addi %mul3A_534, %add3A_535 : i32
      %mul3A_537 = arith.constant 64 : i32
      %mul3A_538 = arith.muli %add3A_536, %mul3A_537 : i32
      %dma_start3A_539 = arith.constant 2 : i32
      %dma_start3A_540 = arith.constant 0 : i32
      %dma_start3A_541 = arith.constant 0 : i32
      %dma_start3A_542 = tpu.memref_slice %arg7[%dma_start3A_539, %dma_start3A_540, %dma_start3A_541] : memref<4x50x128xf32, #tpu.memory_space<vmem>> -> memref<1x50x128xf32, #tpu.memory_space<vmem>>
      %dma_start3A_543 = tpu.memref_squeeze %dma_start3A_542 : memref<1x50x128xf32, #tpu.memory_space<vmem>> -> memref<50x128xf32, #tpu.memory_space<vmem>>
      %dma_start3A_544 = tpu.memref_slice %arg5[%mul3A_538] : memref<8192xi32, #tpu.memory_space<vmem>> -> memref<50xi32, #tpu.memory_space<vmem>>
      %dma_start3A_545 = arith.constant 0 : i32
      %dma_start3A_546 = arith.constant 0 : i32
      %dma_start3A_547 = tpu.memref_slice %arg2[%dma_start3A_545, %dma_start3A_546] : memref<100000x128xf32, #tpu.memory_space<hbm>> -> memref<100000x128xf32, #tpu.memory_space<hbm>>
      tpu.enqueue_indirect_dma source(%dma_start3A_547 : memref<100000x128xf32, #tpu.memory_space<hbm>>) target(%dma_start3A_543 : memref<50x128xf32, #tpu.memory_space<vmem>>) offsets(%dma_start3A_544 : memref<50xi32, #tpu.memory_space<vmem>>) semaphore(%arg9 : memref<!tpu.dma_semaphore, #tpu.memory_space<semaphore_mem>>)
      %mul3A_548 = arith.constant 4 : i32
      %mul3A_549 = arith.muli %add3A_502, %mul3A_548 : i32
      %add3A_550 = arith.constant 3 : i32
      %add3A_551 = arith.addi %mul3A_549, %add3A_550 : i32
      %mul3A_552 = arith.constant 64 : i32
      %mul3A_553 = arith.muli %add3A_551, %mul3A_552 : i32
      %dma_start3A_554 = arith.constant 3 : i32
      %dma_start3A_555 = arith.constant 0 : i32
      %dma_start3A_556 = arith.constant 0 : i32
      %dma_start3A_557 = tpu.memref_slice %arg7[%dma_start3A_554, %dma_start3A_555, %dma_start3A_556] : memref<4x50x128xf32, #tpu.memory_space<vmem>> -> memref<1x50x128xf32, #tpu.memory_space<vmem>>
      %dma_start3A_558 = tpu.memref_squeeze %dma_start3A_557 : memref<1x50x128xf32, #tpu.memory_space<vmem>> -> memref<50x128xf32, #tpu.memory_space<vmem>>
      %dma_start3A_559 = tpu.memref_slice %arg5[%mul3A_553] : memref<8192xi32, #tpu.memory_space<vmem>> -> memref<50xi32, #tpu.memory_space<vmem>>
      %dma_start3A_560 = arith.constant 0 : i32
      %dma_start3A_561 = arith.constant 0 : i32
      %dma_start3A_562 = tpu.memref_slice %arg2[%dma_start3A_560, %dma_start3A_561] : memref<100000x128xf32, #tpu.memory_space<hbm>> -> memref<100000x128xf32, #tpu.memory_space<hbm>>
      tpu.enqueue_indirect_dma source(%dma_start3A_562 : memref<100000x128xf32, #tpu.memory_space<hbm>>) target(%dma_start3A_558 : memref<50x128xf32, #tpu.memory_space<vmem>>) offsets(%dma_start3A_559 : memref<50xi32, #tpu.memory_space<vmem>>) semaphore(%arg9 : memref<!tpu.dma_semaphore, #tpu.memory_space<semaphore_mem>>)
    }
    %scan3A_88 = arith.constant 15 : i32
    %dma_wait3A = arith.constant 0 : i32
    %dma_wait3A_89 = arith.constant 0 : i32
    %dma_wait3A_90 = arith.constant 0 : i32
    %dma_wait3A_91 = arith.constant 0 : i32
    %dma_wait3A_92 = tpu.memref_slice %arg6[%dma_wait3A_89, %dma_wait3A_90, %dma_wait3A_91] : memref<4x50x128xf32, #tpu.memory_space<vmem>> -> memref<1x50x128xf32, #tpu.memory_space<vmem>>
    %dma_wait3A_93 = tpu.memref_squeeze %dma_wait3A_92 : memref<1x50x128xf32, #tpu.memory_space<vmem>> -> memref<50x128xf32, #tpu.memory_space<vmem>>
    %dma_wait3A_94 = arith.constant 0 : i32
    %dma_wait3A_95 = arith.constant 0 : i32
    %dma_wait3A_96 = tpu.memref_slice %arg4[%dma_wait3A, %dma_wait3A_94, %dma_wait3A_95] : memref<4096x50x128xf32, #tpu.memory_space<hbm>> -> memref<1x50x128xf32, #tpu.memory_space<hbm>>
    %dma_wait3A_97 = tpu.memref_squeeze %dma_wait3A_96 : memref<1x50x128xf32, #tpu.memory_space<hbm>> -> memref<50x128xf32, #tpu.memory_space<hbm>>
    %dma_wait3A_98 = arith.constant 0 : i32
    %dma_wait3A_99 = arith.constant 0 : i32
    %dma_wait3A_100 = tpu.memref_slice %arg6[%dma_wait3A_89, %dma_wait3A_98, %dma_wait3A_99] : memref<4x50x128xf32, #tpu.memory_space<vmem>> -> memref<1x50x128xf32, #tpu.memory_space<vmem>>
    %dma_wait3A_101 = tpu.memref_squeeze %dma_wait3A_100 : memref<1x50x128xf32, #tpu.memory_space<vmem>> -> memref<50x128xf32, #tpu.memory_space<vmem>>
    %dma_wait3A_102 = arith.constant 0 : i32
    %dma_wait3A_103 = arith.constant 0 : i32
    %dma_wait3A_104 = tpu.memref_slice %arg4[%dma_wait3A, %dma_wait3A_102, %dma_wait3A_103] : memref<4096x50x128xf32, #tpu.memory_space<hbm>> -> memref<1x50x128xf32, #tpu.memory_space<hbm>>
    %dma_wait3A_105 = tpu.memref_squeeze %dma_wait3A_104 : memref<1x50x128xf32, #tpu.memory_space<hbm>> -> memref<50x128xf32, #tpu.memory_space<hbm>>
    tpu.wait_dma2 semaphore(%arg8 : memref<!tpu.dma_semaphore, #tpu.memory_space<semaphore_mem>>) src(%dma_wait3A_105 : memref<50x128xf32, #tpu.memory_space<hbm>>) dst(%dma_wait3A_101 : memref<50x128xf32, #tpu.memory_space<vmem>>)
    %dma_wait3A_106 = arith.constant 0 : i32
    %dma_wait3A_107 = arith.constant 1 : i32
    %dma_wait3A_108 = arith.constant 0 : i32
    %dma_wait3A_109 = arith.constant 0 : i32
    %dma_wait3A_110 = tpu.memref_slice %arg6[%dma_wait3A_107, %dma_wait3A_108, %dma_wait3A_109] : memref<4x50x128xf32, #tpu.memory_space<vmem>> -> memref<1x50x128xf32, #tpu.memory_space<vmem>>
    %dma_wait3A_111 = tpu.memref_squeeze %dma_wait3A_110 : memref<1x50x128xf32, #tpu.memory_space<vmem>> -> memref<50x128xf32, #tpu.memory_space<vmem>>
    %dma_wait3A_112 = arith.constant 0 : i32
    %dma_wait3A_113 = arith.constant 0 : i32
    %dma_wait3A_114 = tpu.memref_slice %arg4[%dma_wait3A_106, %dma_wait3A_112, %dma_wait3A_113] : memref<4096x50x128xf32, #tpu.memory_space<hbm>> -> memref<1x50x128xf32, #tpu.memory_space<hbm>>
    %dma_wait3A_115 = tpu.memref_squeeze %dma_wait3A_114 : memref<1x50x128xf32, #tpu.memory_space<hbm>> -> memref<50x128xf32, #tpu.memory_space<hbm>>
    %dma_wait3A_116 = arith.constant 0 : i32
    %dma_wait3A_117 = arith.constant 0 : i32
    %dma_wait3A_118 = tpu.memref_slice %arg6[%dma_wait3A_107, %dma_wait3A_116, %dma_wait3A_117] : memref<4x50x128xf32, #tpu.memory_space<vmem>> -> memref<1x50x128xf32, #tpu.memory_space<vmem>>
    %dma_wait3A_119 = tpu.memref_squeeze %dma_wait3A_118 : memref<1x50x128xf32, #tpu.memory_space<vmem>> -> memref<50x128xf32, #tpu.memory_space<vmem>>
    %dma_wait3A_120 = arith.constant 0 : i32
    %dma_wait3A_121 = arith.constant 0 : i32
    %dma_wait3A_122 = tpu.memref_slice %arg4[%dma_wait3A_106, %dma_wait3A_120, %dma_wait3A_121] : memref<4096x50x128xf32, #tpu.memory_space<hbm>> -> memref<1x50x128xf32, #tpu.memory_space<hbm>>
    %dma_wait3A_123 = tpu.memref_squeeze %dma_wait3A_122 : memref<1x50x128xf32, #tpu.memory_space<hbm>> -> memref<50x128xf32, #tpu.memory_space<hbm>>
    tpu.wait_dma2 semaphore(%arg8 : memref<!tpu.dma_semaphore, #tpu.memory_space<semaphore_mem>>) src(%dma_wait3A_123 : memref<50x128xf32, #tpu.memory_space<hbm>>) dst(%dma_wait3A_119 : memref<50x128xf32, #tpu.memory_space<vmem>>)
    %dma_wait3A_124 = arith.constant 0 : i32
    %dma_wait3A_125 = arith.constant 2 : i32
    %dma_wait3A_126 = arith.constant 0 : i32
    %dma_wait3A_127 = arith.constant 0 : i32
    %dma_wait3A_128 = tpu.memref_slice %arg6[%dma_wait3A_125, %dma_wait3A_126, %dma_wait3A_127] : memref<4x50x128xf32, #tpu.memory_space<vmem>> -> memref<1x50x128xf32, #tpu.memory_space<vmem>>
    %dma_wait3A_129 = tpu.memref_squeeze %dma_wait3A_128 : memref<1x50x128xf32, #tpu.memory_space<vmem>> -> memref<50x128xf32, #tpu.memory_space<vmem>>
    %dma_wait3A_130 = arith.constant 0 : i32
    %dma_wait3A_131 = arith.constant 0 : i32
    %dma_wait3A_132 = tpu.memref_slice %arg4[%dma_wait3A_124, %dma_wait3A_130, %dma_wait3A_131] : memref<4096x50x128xf32, #tpu.memory_space<hbm>> -> memref<1x50x128xf32, #tpu.memory_space<hbm>>
    %dma_wait3A_133 = tpu.memref_squeeze %dma_wait3A_132 : memref<1x50x128xf32, #tpu.memory_space<hbm>> -> memref<50x128xf32, #tpu.memory_space<hbm>>
    %dma_wait3A_134 = arith.constant 0 : i32
    %dma_wait3A_135 = arith.constant 0 : i32
    %dma_wait3A_136 = tpu.memref_slice %arg6[%dma_wait3A_125, %dma_wait3A_134, %dma_wait3A_135] : memref<4x50x128xf32, #tpu.memory_space<vmem>> -> memref<1x50x128xf32, #tpu.memory_space<vmem>>
    %dma_wait3A_137 = tpu.memref_squeeze %dma_wait3A_136 : memref<1x50x128xf32, #tpu.memory_space<vmem>> -> memref<50x128xf32, #tpu.memory_space<vmem>>
    %dma_wait3A_138 = arith.constant 0 : i32
    %dma_wait3A_139 = arith.constant 0 : i32
    %dma_wait3A_140 = tpu.memref_slice %arg4[%dma_wait3A_124, %dma_wait3A_138, %dma_wait3A_139] : memref<4096x50x128xf32, #tpu.memory_space<hbm>> -> memref<1x50x128xf32, #tpu.memory_space<hbm>>
    %dma_wait3A_141 = tpu.memref_squeeze %dma_wait3A_140 : memref<1x50x128xf32, #tpu.memory_space<hbm>> -> memref<50x128xf32, #tpu.memory_space<hbm>>
    tpu.wait_dma2 semaphore(%arg8 : memref<!tpu.dma_semaphore, #tpu.memory_space<semaphore_mem>>) src(%dma_wait3A_141 : memref<50x128xf32, #tpu.memory_space<hbm>>) dst(%dma_wait3A_137 : memref<50x128xf32, #tpu.memory_space<vmem>>)
    %dma_wait3A_142 = arith.constant 0 : i32
    %dma_wait3A_143 = arith.constant 3 : i32
    %dma_wait3A_144 = arith.constant 0 : i32
    %dma_wait3A_145 = arith.constant 0 : i32
    %dma_wait3A_146 = tpu.memref_slice %arg6[%dma_wait3A_143, %dma_wait3A_144, %dma_wait3A_145] : memref<4x50x128xf32, #tpu.memory_space<vmem>> -> memref<1x50x128xf32, #tpu.memory_space<vmem>>
    %dma_wait3A_147 = tpu.memref_squeeze %dma_wait3A_146 : memref<1x50x128xf32, #tpu.memory_space<vmem>> -> memref<50x128xf32, #tpu.memory_space<vmem>>
    %dma_wait3A_148 = arith.constant 0 : i32
    %dma_wait3A_149 = arith.constant 0 : i32
    %dma_wait3A_150 = tpu.memref_slice %arg4[%dma_wait3A_142, %dma_wait3A_148, %dma_wait3A_149] : memref<4096x50x128xf32, #tpu.memory_space<hbm>> -> memref<1x50x128xf32, #tpu.memory_space<hbm>>
    %dma_wait3A_151 = tpu.memref_squeeze %dma_wait3A_150 : memref<1x50x128xf32, #tpu.memory_space<hbm>> -> memref<50x128xf32, #tpu.memory_space<hbm>>
    %dma_wait3A_152 = arith.constant 0 : i32
    %dma_wait3A_153 = arith.constant 0 : i32
    %dma_wait3A_154 = tpu.memref_slice %arg6[%dma_wait3A_143, %dma_wait3A_152, %dma_wait3A_153] : memref<4x50x128xf32, #tpu.memory_space<vmem>> -> memref<1x50x128xf32, #tpu.memory_space<vmem>>
    %dma_wait3A_155 = tpu.memref_squeeze %dma_wait3A_154 : memref<1x50x128xf32, #tpu.memory_space<vmem>> -> memref<50x128xf32, #tpu.memory_space<vmem>>
    %dma_wait3A_156 = arith.constant 0 : i32
    %dma_wait3A_157 = arith.constant 0 : i32
    %dma_wait3A_158 = tpu.memref_slice %arg4[%dma_wait3A_142, %dma_wait3A_156, %dma_wait3A_157] : memref<4096x50x128xf32, #tpu.memory_space<hbm>> -> memref<1x50x128xf32, #tpu.memory_space<hbm>>
    %dma_wait3A_159 = tpu.memref_squeeze %dma_wait3A_158 : memref<1x50x128xf32, #tpu.memory_space<hbm>> -> memref<50x128xf32, #tpu.memory_space<hbm>>
    tpu.wait_dma2 semaphore(%arg8 : memref<!tpu.dma_semaphore, #tpu.memory_space<semaphore_mem>>) src(%dma_wait3A_159 : memref<50x128xf32, #tpu.memory_space<hbm>>) dst(%dma_wait3A_155 : memref<50x128xf32, #tpu.memory_space<vmem>>)
    %add3A_160 = arith.constant 120 : i32
    %add3A_161 = arith.addi %mul3A_2, %add3A_160 : i32
    %dma_start3A_162 = arith.constant 0 : i32
    %dma_start3A_163 = arith.constant 0 : i32
    %dma_start3A_164 = tpu.memref_slice %arg4[%add3A_161, %dma_start3A_162, %dma_start3A_163] : memref<4096x50x128xf32, #tpu.memory_space<hbm>> -> memref<4x50x128xf32, #tpu.memory_space<hbm>>
    %dma_start3A_165 = arith.constant 0 : i32
    %dma_start3A_166 = arith.constant 0 : i32
    %dma_start3A_167 = tpu.memref_slice %arg4[%add3A_161, %dma_start3A_165, %dma_start3A_166] : memref<4096x50x128xf32, #tpu.memory_space<hbm>> -> memref<4x50x128xf32, #tpu.memory_space<hbm>>
    tpu.enqueue_dma source(%arg6 : memref<4x50x128xf32, #tpu.memory_space<vmem>>) target(%dma_start3A_167 : memref<4x50x128xf32, #tpu.memory_space<hbm>>) target_semaphore(%arg10 : memref<!tpu.dma_semaphore, #tpu.memory_space<semaphore_mem>>)
    %dma_wait3A_168 = arith.constant 0 : i32
    %dma_wait3A_169 = arith.constant 0 : i32
    %dma_wait3A_170 = arith.constant 0 : i32
    %dma_wait3A_171 = arith.constant 0 : i32
    %dma_wait3A_172 = tpu.memref_slice %arg7[%dma_wait3A_169, %dma_wait3A_170, %dma_wait3A_171] : memref<4x50x128xf32, #tpu.memory_space<vmem>> -> memref<1x50x128xf32, #tpu.memory_space<vmem>>
    %dma_wait3A_173 = tpu.memref_squeeze %dma_wait3A_172 : memref<1x50x128xf32, #tpu.memory_space<vmem>> -> memref<50x128xf32, #tpu.memory_space<vmem>>
    %dma_wait3A_174 = arith.constant 0 : i32
    %dma_wait3A_175 = arith.constant 0 : i32
    %dma_wait3A_176 = tpu.memref_slice %arg4[%dma_wait3A_168, %dma_wait3A_174, %dma_wait3A_175] : memref<4096x50x128xf32, #tpu.memory_space<hbm>> -> memref<1x50x128xf32, #tpu.memory_space<hbm>>
    %dma_wait3A_177 = tpu.memref_squeeze %dma_wait3A_176 : memref<1x50x128xf32, #tpu.memory_space<hbm>> -> memref<50x128xf32, #tpu.memory_space<hbm>>
    %dma_wait3A_178 = arith.constant 0 : i32
    %dma_wait3A_179 = arith.constant 0 : i32
    %dma_wait3A_180 = tpu.memref_slice %arg7[%dma_wait3A_169, %dma_wait3A_178, %dma_wait3A_179] : memref<4x50x128xf32, #tpu.memory_space<vmem>> -> memref<1x50x128xf32, #tpu.memory_space<vmem>>
    %dma_wait3A_181 = tpu.memref_squeeze %dma_wait3A_180 : memref<1x50x128xf32, #tpu.memory_space<vmem>> -> memref<50x128xf32, #tpu.memory_space<vmem>>
    %dma_wait3A_182 = arith.constant 0 : i32
    %dma_wait3A_183 = arith.constant 0 : i32
    %dma_wait3A_184 = tpu.memref_slice %arg4[%dma_wait3A_168, %dma_wait3A_182, %dma_wait3A_183] : memref<4096x50x128xf32, #tpu.memory_space<hbm>> -> memref<1x50x128xf32, #tpu.memory_space<hbm>>
    %dma_wait3A_185 = tpu.memref_squeeze %dma_wait3A_184 : memref<1x50x128xf32, #tpu.memory_space<hbm>> -> memref<50x128xf32, #tpu.memory_space<hbm>>
    tpu.wait_dma2 semaphore(%arg9 : memref<!tpu.dma_semaphore, #tpu.memory_space<semaphore_mem>>) src(%dma_wait3A_185 : memref<50x128xf32, #tpu.memory_space<hbm>>) dst(%dma_wait3A_181 : memref<50x128xf32, #tpu.memory_space<vmem>>)
    %dma_wait3A_186 = arith.constant 0 : i32
    %dma_wait3A_187 = arith.constant 1 : i32
    %dma_wait3A_188 = arith.constant 0 : i32
    %dma_wait3A_189 = arith.constant 0 : i32
    %dma_wait3A_190 = tpu.memref_slice %arg7[%dma_wait3A_187, %dma_wait3A_188, %dma_wait3A_189] : memref<4x50x128xf32, #tpu.memory_space<vmem>> -> memref<1x50x128xf32, #tpu.memory_space<vmem>>
    %dma_wait3A_191 = tpu.memref_squeeze %dma_wait3A_190 : memref<1x50x128xf32, #tpu.memory_space<vmem>> -> memref<50x128xf32, #tpu.memory_space<vmem>>
    %dma_wait3A_192 = arith.constant 0 : i32
    %dma_wait3A_193 = arith.constant 0 : i32
    %dma_wait3A_194 = tpu.memref_slice %arg4[%dma_wait3A_186, %dma_wait3A_192, %dma_wait3A_193] : memref<4096x50x128xf32, #tpu.memory_space<hbm>> -> memref<1x50x128xf32, #tpu.memory_space<hbm>>
    %dma_wait3A_195 = tpu.memref_squeeze %dma_wait3A_194 : memref<1x50x128xf32, #tpu.memory_space<hbm>> -> memref<50x128xf32, #tpu.memory_space<hbm>>
    %dma_wait3A_196 = arith.constant 0 : i32
    %dma_wait3A_197 = arith.constant 0 : i32
    %dma_wait3A_198 = tpu.memref_slice %arg7[%dma_wait3A_187, %dma_wait3A_196, %dma_wait3A_197] : memref<4x50x128xf32, #tpu.memory_space<vmem>> -> memref<1x50x128xf32, #tpu.memory_space<vmem>>
    %dma_wait3A_199 = tpu.memref_squeeze %dma_wait3A_198 : memref<1x50x128xf32, #tpu.memory_space<vmem>> -> memref<50x128xf32, #tpu.memory_space<vmem>>
    %dma_wait3A_200 = arith.constant 0 : i32
    %dma_wait3A_201 = arith.constant 0 : i32
    %dma_wait3A_202 = tpu.memref_slice %arg4[%dma_wait3A_186, %dma_wait3A_200, %dma_wait3A_201] : memref<4096x50x128xf32, #tpu.memory_space<hbm>> -> memref<1x50x128xf32, #tpu.memory_space<hbm>>
    %dma_wait3A_203 = tpu.memref_squeeze %dma_wait3A_202 : memref<1x50x128xf32, #tpu.memory_space<hbm>> -> memref<50x128xf32, #tpu.memory_space<hbm>>
    tpu.wait_dma2 semaphore(%arg9 : memref<!tpu.dma_semaphore, #tpu.memory_space<semaphore_mem>>) src(%dma_wait3A_203 : memref<50x128xf32, #tpu.memory_space<hbm>>) dst(%dma_wait3A_199 : memref<50x128xf32, #tpu.memory_space<vmem>>)
    %dma_wait3A_204 = arith.constant 0 : i32
    %dma_wait3A_205 = arith.constant 2 : i32
    %dma_wait3A_206 = arith.constant 0 : i32
    %dma_wait3A_207 = arith.constant 0 : i32
    %dma_wait3A_208 = tpu.memref_slice %arg7[%dma_wait3A_205, %dma_wait3A_206, %dma_wait3A_207] : memref<4x50x128xf32, #tpu.memory_space<vmem>> -> memref<1x50x128xf32, #tpu.memory_space<vmem>>
    %dma_wait3A_209 = tpu.memref_squeeze %dma_wait3A_208 : memref<1x50x128xf32, #tpu.memory_space<vmem>> -> memref<50x128xf32, #tpu.memory_space<vmem>>
    %dma_wait3A_210 = arith.constant 0 : i32
    %dma_wait3A_211 = arith.constant 0 : i32
    %dma_wait3A_212 = tpu.memref_slice %arg4[%dma_wait3A_204, %dma_wait3A_210, %dma_wait3A_211] : memref<4096x50x128xf32, #tpu.memory_space<hbm>> -> memref<1x50x128xf32, #tpu.memory_space<hbm>>
    %dma_wait3A_213 = tpu.memref_squeeze %dma_wait3A_212 : memref<1x50x128xf32, #tpu.memory_space<hbm>> -> memref<50x128xf32, #tpu.memory_space<hbm>>
    %dma_wait3A_214 = arith.constant 0 : i32
    %dma_wait3A_215 = arith.constant 0 : i32
    %dma_wait3A_216 = tpu.memref_slice %arg7[%dma_wait3A_205, %dma_wait3A_214, %dma_wait3A_215] : memref<4x50x128xf32, #tpu.memory_space<vmem>> -> memref<1x50x128xf32, #tpu.memory_space<vmem>>
    %dma_wait3A_217 = tpu.memref_squeeze %dma_wait3A_216 : memref<1x50x128xf32, #tpu.memory_space<vmem>> -> memref<50x128xf32, #tpu.memory_space<vmem>>
    %dma_wait3A_218 = arith.constant 0 : i32
    %dma_wait3A_219 = arith.constant 0 : i32
    %dma_wait3A_220 = tpu.memref_slice %arg4[%dma_wait3A_204, %dma_wait3A_218, %dma_wait3A_219] : memref<4096x50x128xf32, #tpu.memory_space<hbm>> -> memref<1x50x128xf32, #tpu.memory_space<hbm>>
    %dma_wait3A_221 = tpu.memref_squeeze %dma_wait3A_220 : memref<1x50x128xf32, #tpu.memory_space<hbm>> -> memref<50x128xf32, #tpu.memory_space<hbm>>
    tpu.wait_dma2 semaphore(%arg9 : memref<!tpu.dma_semaphore, #tpu.memory_space<semaphore_mem>>) src(%dma_wait3A_221 : memref<50x128xf32, #tpu.memory_space<hbm>>) dst(%dma_wait3A_217 : memref<50x128xf32, #tpu.memory_space<vmem>>)
    %dma_wait3A_222 = arith.constant 0 : i32
    %dma_wait3A_223 = arith.constant 3 : i32
    %dma_wait3A_224 = arith.constant 0 : i32
    %dma_wait3A_225 = arith.constant 0 : i32
    %dma_wait3A_226 = tpu.memref_slice %arg7[%dma_wait3A_223, %dma_wait3A_224, %dma_wait3A_225] : memref<4x50x128xf32, #tpu.memory_space<vmem>> -> memref<1x50x128xf32, #tpu.memory_space<vmem>>
    %dma_wait3A_227 = tpu.memref_squeeze %dma_wait3A_226 : memref<1x50x128xf32, #tpu.memory_space<vmem>> -> memref<50x128xf32, #tpu.memory_space<vmem>>
    %dma_wait3A_228 = arith.constant 0 : i32
    %dma_wait3A_229 = arith.constant 0 : i32
    %dma_wait3A_230 = tpu.memref_slice %arg4[%dma_wait3A_222, %dma_wait3A_228, %dma_wait3A_229] : memref<4096x50x128xf32, #tpu.memory_space<hbm>> -> memref<1x50x128xf32, #tpu.memory_space<hbm>>
    %dma_wait3A_231 = tpu.memref_squeeze %dma_wait3A_230 : memref<1x50x128xf32, #tpu.memory_space<hbm>> -> memref<50x128xf32, #tpu.memory_space<hbm>>
    %dma_wait3A_232 = arith.constant 0 : i32
    %dma_wait3A_233 = arith.constant 0 : i32
    %dma_wait3A_234 = tpu.memref_slice %arg7[%dma_wait3A_223, %dma_wait3A_232, %dma_wait3A_233] : memref<4x50x128xf32, #tpu.memory_space<vmem>> -> memref<1x50x128xf32, #tpu.memory_space<vmem>>
    %dma_wait3A_235 = tpu.memref_squeeze %dma_wait3A_234 : memref<1x50x128xf32, #tpu.memory_space<vmem>> -> memref<50x128xf32, #tpu.memory_space<vmem>>
    %dma_wait3A_236 = arith.constant 0 : i32
    %dma_wait3A_237 = arith.constant 0 : i32
    %dma_wait3A_238 = tpu.memref_slice %arg4[%dma_wait3A_222, %dma_wait3A_236, %dma_wait3A_237] : memref<4096x50x128xf32, #tpu.memory_space<hbm>> -> memref<1x50x128xf32, #tpu.memory_space<hbm>>
    %dma_wait3A_239 = tpu.memref_squeeze %dma_wait3A_238 : memref<1x50x128xf32, #tpu.memory_space<hbm>> -> memref<50x128xf32, #tpu.memory_space<hbm>>
    tpu.wait_dma2 semaphore(%arg9 : memref<!tpu.dma_semaphore, #tpu.memory_space<semaphore_mem>>) src(%dma_wait3A_239 : memref<50x128xf32, #tpu.memory_space<hbm>>) dst(%dma_wait3A_235 : memref<50x128xf32, #tpu.memory_space<vmem>>)
    %add3A_240 = arith.constant 124 : i32
    %add3A_241 = arith.addi %mul3A_2, %add3A_240 : i32
    %dma_start3A_242 = arith.constant 0 : i32
    %dma_start3A_243 = arith.constant 0 : i32
    %dma_start3A_244 = tpu.memref_slice %arg4[%add3A_241, %dma_start3A_242, %dma_start3A_243] : memref<4096x50x128xf32, #tpu.memory_space<hbm>> -> memref<4x50x128xf32, #tpu.memory_space<hbm>>
    %dma_start3A_245 = arith.constant 0 : i32
    %dma_start3A_246 = arith.constant 0 : i32
    %dma_start3A_247 = tpu.memref_slice %arg4[%add3A_241, %dma_start3A_245, %dma_start3A_246] : memref<4096x50x128xf32, #tpu.memory_space<hbm>> -> memref<4x50x128xf32, #tpu.memory_space<hbm>>
    tpu.enqueue_dma source(%arg7 : memref<4x50x128xf32, #tpu.memory_space<vmem>>) target(%dma_start3A_247 : memref<4x50x128xf32, #tpu.memory_space<hbm>>) target_semaphore(%arg11 : memref<!tpu.dma_semaphore, #tpu.memory_space<semaphore_mem>>)
    %dma_wait3A_248 = arith.constant 0 : i32
    %dma_wait3A_249 = arith.constant 0 : i32
    %dma_wait3A_250 = tpu.memref_slice %arg4[%mul3A_2, %dma_wait3A_248, %dma_wait3A_249] : memref<4096x50x128xf32, #tpu.memory_space<hbm>> -> memref<4x50x128xf32, #tpu.memory_space<hbm>>
    %dma_wait3A_251 = arith.constant 0 : i32
    %dma_wait3A_252 = arith.constant 0 : i32
    %dma_wait3A_253 = tpu.memref_slice %arg4[%mul3A_2, %dma_wait3A_251, %dma_wait3A_252] : memref<4096x50x128xf32, #tpu.memory_space<hbm>> -> memref<4x50x128xf32, #tpu.memory_space<hbm>>
    tpu.wait_dma2 semaphore(%arg10 : memref<!tpu.dma_semaphore, #tpu.memory_space<semaphore_mem>>) src(%arg6 : memref<4x50x128xf32, #tpu.memory_space<vmem>>) dst(%dma_wait3A_253 : memref<4x50x128xf32, #tpu.memory_space<hbm>>)
    %dma_wait3A_254 = arith.constant 0 : i32
    %dma_wait3A_255 = arith.constant 0 : i32
    %dma_wait3A_256 = tpu.memref_slice %arg4[%mul3A_2, %dma_wait3A_254, %dma_wait3A_255] : memref<4096x50x128xf32, #tpu.memory_space<hbm>> -> memref<4x50x128xf32, #tpu.memory_space<hbm>>
    %dma_wait3A_257 = arith.constant 0 : i32
    %dma_wait3A_258 = arith.constant 0 : i32
    %dma_wait3A_259 = tpu.memref_slice %arg4[%mul3A_2, %dma_wait3A_257, %dma_wait3A_258] : memref<4096x50x128xf32, #tpu.memory_space<hbm>> -> memref<4x50x128xf32, #tpu.memory_space<hbm>>
    tpu.wait_dma2 semaphore(%arg11 : memref<!tpu.dma_semaphore, #tpu.memory_space<semaphore_mem>>) src(%arg7 : memref<4x50x128xf32, #tpu.memory_space<vmem>>) dst(%dma_wait3A_259 : memref<4x50x128xf32, #tpu.memory_space<hbm>>)
    return
  }
}

</mosaic_0001>

<sc_bundles>
// kernel: kernel.3.cloned.1.call-start
scs
__scs_entry_jumppad:
0x0: {  	(pc) =	sbr.rel $0x88, $3  }
0x1: {  	(tag) =	ssettag $0x0;
	lr =	simm.s32 $0x1  }
0x2: {  	[smem:$0x3F9F] =	sst lr;
	_ =	strace $0xD0000000  }
0x3: {  	_ = 	snop  }
0x4: {  	_ = 	snop  }
0x5: {  	_ = 	snop  }
0x6: {  	_ = 	snop  }
0x7: {  	_ = 	snop  }
__scs_overlays_trampoline_lowered:
0x8: {  	[smem:$0x3FAE] =	sst s0  }
0x9: {  	[smem:$0x3FAF] =	sst s1  }
0xa: {  	[smem:$0x3FB0] =	sst s2  }
0xb: {  	[smem:$0x3FB1] =	sst s3  }
0xc: {  	[smem:$0x3FB2] =	sst s4  }
0xd: {  	[smem:$0x3FB3] =	sst s5  }
0xe: {  	[smem:$0x3FB4] =	sst s6  }
0xf: {  	[smem:$0x3FB5] =	sst s7  }
0x10: {  	[smem:$0x3FB6] =	sst s8  }
0x11: {  	[smem:$0x3FB7] =	sst s9;
	s0 =	simm.s32 @!p0 $0x0  }
0x12: {  	s1 =	sld [smem:$0x3F9D];
	s0 =	simm.s32 @p0 $0x1  }
0x13: {  	[smem:$0x3FB8] =	sst s0;
	s0 =	simm.s32 @!p1 $0x0  }
0x14: {  	s2 =	sld [smem:$0x3F9C];
	s0 =	simm.s32 @p1 $0x1  }
0x15: {  	[smem:$0x3FB9] =	sst s0;
	s0 =	simm.s32 @!p2 $0x0  }
0x16: {  	s3 =	sld [smem:$0x3FDB];
	s0 =	simm.s32 @p2 $0x1  }
0x17: {  	s4 =	simm.s32 $0x1BF5;
	[smem:$0x3FBB] =	sst s0  }
0x18: {  	s0 =	sld [smem:$0x3F9E];
	_ =	swait.ge [sflag:s4], $0x0  }
0x19: {  	s7 =	sld [smem:$0x3F9F]  }
0x1a: {  	s8 =	sadd.s32 $0xFFFFE003, lr  }
0x1b: {  	s9 =	sadd.s32 $0xFFFFFEF7, lr;
	s5 =	simm.s32 $0xFFFFFFFF;
	p2 =	slt.u32 s8, $0xFFFFF086  }
0x1c: {  	p1 =	slt.u32 s9, $0xF7A;
	s5 =	simm.s32 @!p2 $0x0  }
0x1d: {  	s5 =	simm.s32 @p1 $0x1;
	p0 =	seq.s32 s7, s2  }
0x1e: {  	s7 =	smul.u32 @!p0 $0xF7A, s2;
	p2 =	seq.s32 @!p0 s5, $0x0  }
0x1f: {  	s9 =	smul.u32 $0xF7A, s1;
	s8 =	simm.s32 @!p0 $0x1BF5;
	p2 =	por !p2, p0  }
0x20: {  	[sflag:s8] =	ssyncset.s32 @!p0 $0xFFFFF086;
	s6 =	sadd.s32 @!p0 s3, s7;
	s7 =	simm.s32 @!p0 $0x108  }
0x21: {  	s3 =	sadd.s32 s3, s9;
	s6 =	sadd.s32 @!p0 $0x88, s6;
	s7 =	simm.s32 @p2 $0x1082  }
0x22: {  	[simem:s7], [sflag:s8] =	dma.local @!p0 [hbm:s6], $0xF7A  }
0x23: {  	s9 =	sor.u32 $0xD0000000, s2;
	s6 =	simm.s32 $0x108;
	_ =	swait.ge @!p0 [sflag:s8], $0x0  }
0x24: {  	s3 =	sadd.s32 $0x88, s3;
	s6 =	simm.s32 @!p1 $0x1082;
	[sflag:s4] =	ssyncset.s32 $0xFFFFF086  }
0x25: {  	[simem:s6], [sflag:s4] =	dma.local [hbm:s3], $0xF7A  }
0x26: {  	[smem:$0x3F9F] =	sst s1;
	(tag) =	ssettag s2;
	_ =	strace s9  }
0x27: {  	s1 =	sld [smem:$0x3FAF]  }
0x28: {  	s2 =	sld [smem:$0x3FB0]  }
0x29: {  	s4 =	sld [smem:$0x3FB2]  }
0x2a: {  	p0 =	seq.s32 s5, $0x0;
	s5 =	sld [smem:$0x3FB3]  }
0x2b: {  	s6 =	sld [smem:$0x3FB4]  }
0x2c: {  	s7 =	sld [smem:$0x3FB5]  }
0x2d: {  	s3 =	simm.s32 $0x108;
	s8 =	sld [smem:$0x3FB6]  }
0x2e: {  	s3 =	simm.s32 @!p0 $0x1082;
	s9 =	sld [smem:$0x3FB7]  }
0x2f: {  	lr =	sadd.s32 s0, s3;
	s0 =	sld [smem:$0x3FAE]  }
0x30: {  	s3 =	sld [smem:$0x3FB1]  }
0x31: {  	[smem:$0x3FBA] =	sst s10  }
0x32: {  	s10 =	sld [smem:$0x3FB8];
	_ =	sdelay $0x3  }
0x33: {  	p0 =	seq.s32 s10, $0x1;
	s10 =	sld [smem:$0x3FBA];
	_ =	sdelay $0x3  }
0x34: {  	[smem:$0x3FBA] =	sst s10  }
0x35: {  	s10 =	sld [smem:$0x3FB9];
	_ =	sdelay $0x3  }
0x36: {  	p1 =	seq.s32 s10, $0x1;
	s10 =	sld [smem:$0x3FBA];
	_ =	sdelay $0x3  }
0x37: {  	[smem:$0x3FBA] =	sst s10  }
0x38: {  	s10 =	sld [smem:$0x3FBB]  }
0x39: {  	_ = 	snop;
	(pc) =	sbr.ind lr, $3  }
0x3a: {  	_ = 	snop  }
0x3b: {  	_ = 	snop  }
0x3c: {  	p2 =	seq.s32 s10, $0x1;
	s10 =	sld [smem:$0x3FBA]  }
0x3d: {  	_ =	shalt  }
0x3e: {  	_ =	shalt  }
0x3f: {  	_ =	shalt  }
0x40: {  	_ =	shalt  }
0x41: {  	_ =	shalt  }
0x42: {  	_ =	shalt  }
0x43: {  	_ =	shalt  }
0x44: {  	_ =	shalt  }
0x45: {  	_ =	shalt  }
0x46: {  	_ =	shalt  }
0x47: {  	_ =	shalt  }
0x48: {  	_ =	shalt  }
0x49: {  	_ =	shalt  }
0x4a: {  	_ =	shalt  }
0x4b: {  	_ =	shalt  }
0x4c: {  	_ =	shalt  }
0x4d: {  	_ =	shalt  }
0x4e: {  	_ =	shalt  }
0x4f: {  	_ =	shalt  }
0x50: {  	_ =	shalt  }
0x51: {  	_ =	shalt  }
0x52: {  	_ =	shalt  }
0x53: {  	_ =	shalt  }
0x54: {  	_ =	shalt  }
0x55: {  	_ =	shalt  }
0x56: {  	_ =	shalt  }
0x57: {  	_ =	shalt  }
0x58: {  	_ =	shalt  }
0x59: {  	_ =	shalt  }
0x5a: {  	_ =	shalt  }
0x5b: {  	_ =	shalt  }
0x5c: {  	_ =	shalt  }
0x5d: {  	_ =	shalt  }
0x5e: {  	_ =	shalt  }
0x5f: {  	_ =	shalt  }
0x60: {  	_ =	shalt  }
0x61: {  	_ =	shalt  }
0x62: {  	_ =	shalt  }
0x63: {  	_ =	shalt  }
0x64: {  	_ =	shalt  }
0x65: {  	_ =	shalt  }
0x66: {  	_ =	shalt  }
0x67: {  	_ =	shalt  }
0x68: {  	_ =	shalt  }
0x69: {  	_ =	shalt  }
0x6a: {  	_ =	shalt  }
0x6b: {  	_ =	shalt  }
0x6c: {  	_ =	shalt  }
0x6d: {  	_ =	shalt  }
0x6e: {  	_ =	shalt  }
0x6f: {  	_ =	shalt  }
0x70: {  	_ =	shalt  }
0x71: {  	_ =	shalt  }
0x72: {  	_ =	shalt  }
0x73: {  	_ =	shalt  }
0x74: {  	_ =	shalt  }
0x75: {  	_ =	shalt  }
0x76: {  	_ =	shalt  }
0x77: {  	_ =	shalt  }
0x78: {  	_ =	shalt  }
0x79: {  	_ =	shalt  }
0x7a: {  	_ =	shalt  }
0x7b: {  	_ =	shalt  }
0x7c: {  	_ =	shalt  }
0x7d: {  	_ =	shalt  }
0x7e: {  	_ =	shalt  }
0x7f: {  	_ =	shalt  }
0x80: {  	_ =	shalt  }
0x81: {  	_ =	shalt  }
0x82: {  	_ =	shalt  }
0x83: {  	_ =	shalt  }
0x84: {  	_ =	shalt  }
0x85: {  	_ =	shalt  }
0x86: {  	_ =	shalt  }
0x87: {  	_ =	shalt  }
.Lfunc_end0:
.L_simem_size_0:
called_computation_lowered:
.L_overlay_start_0:
0x88: {  	s2 =	sld [smem:$0x3FD9]  }
0x89: {  	s3 =	sld [smem:$0x3FFE];
	_ =	sdelay $0x1  }
0x8a: {  	s1 =	srdreg.scid  }
0x8b: {  	s0 =	sand.u32 $0x1, s1  }
0x8c: {  	s17 =	sshll.u32 s0, $0xA;
	s2 =	sadd.s32 s3, s2  }
0x8d: {  	s2 =	sadd.s32 s2, s17  }
0x8e: {  	[smem:$0x3FC6] =	sst s2  }
0x8f: {  	_ = 	snop  }
0x90: {  	s2 =	sld [smem:$0x3FC8]  }
0x91: {  	s18 =	sld [smem:$0x3FD0];
	(tm) =	ssettm $0x1  }
0x92: {  	s4 =	sld [smem:$0x3FFB];
	_ =	sdelay $0x3  }
0x93: {  	_ =	strace s4  }
0x94: {  	s4 =	sld [smem:$0x3FFC];
	_ =	sdelay $0x3  }
0x95: {  	_ =	strace s4  }
0x96: {  	s4 =	sld [smem:$0x3FFD];
	_ =	sdelay $0x3  }
0x97: {  	_ =	strace s4  }
0x98: {  	_ =	strace $0x8FFFFFFF  }
0x99: {  	s19 =	sld [smem:$0x3FDB];
	_ =	sdelay $0x1  }
0x9a: {  	s5 =	simm.s32 $_scs_section_size  }
0x9b: {  	s6 =	simm.s32 $_size__tile_overlayer_lowered;
	s7 =	simm.s32 $_tile_overlayer_lowered  }
0x9c: {  	s22 =	simm.s32 $0x1BFF;
	s21 =	sshll.u32 s7, $0x1;
	s4 =	sadd.s32 s5, s19  }
0x9d: {  	s8 =	simm.s32 $0x0;
	s20 =	sshll.u32 s6, $0x1;
	s6 =	sadd.s32 s21, s4  }
0x9e: {  	[timem:s8], [sflag:s22] =	dma.local [hbm:s6], s20  }
0x9f: {  	_ =	swait.ge [sflag:s22], s20  }
0xa0: {  	s5 =	ssub.s32 $0x0, s20;
	[sflag:s22] =	ssyncset.done $0x0  }
0xa1: {  	[sflag:s22] =	ssyncadd.s32 s5;
	_ =	sdelay $0x1  }
0xa2: {  	s23 =	simm.s32 $0x1B8B  }
0xa3: {  	_ =	swait.ge [sflag:s23], $0x1  }
0xa4: {  	[sflag:s23] =	ssyncset.done $0x0  }
0xa5: {  	s25 =	simm.s32 $0x1B8E;
	s24 =	sld [smem:$0x3FFE];
	[sflag:s23] =	ssyncadd.s32 $0xFFFFFFFF  }
0xa6: {  	s26 =	simm.s32 $execute0_lowered;
	[smem:$0x3FD2] =	sst s25  }
0xa7: {  	s6 =	sshll.u32 s26, $0x1;
	_ =	strace $0x80000046;
	[dreg:$0x1] =	wrdreg $0xFFFFFFFF  }
0xa8: {  	s28 =	simm.s32 $_size_execute0_lowered;
	s4 =	sadd.s32 s4, s6;
	[dreg:$0x0] =	wrdreg $0x0  }
0xa9: {  	s6 =	sshll.u32 s28, $0x1;
	[dreg:$0x2] =	wrdreg s4  }
0xaa: {  	[dreg:$0x3] =	wrdreg s6  }
0xab: {  	[dreg:$0x4] =	wrdreg $0xC0  }
0xac: {  	_ =	task [dreg:s8], $0x5FFFF  }
0xad: {  	[dreg:$0x1] =	wrdreg $0xFFFFFFFF  }
0xae: {  	[dreg:$0x0] =	wrdreg $0x60  }
0xaf: {  	[dreg:$0x2] =	wrdreg s2  }
0xb0: {  	[dreg:$0x3] =	wrdreg s18  }
0xb1: {  	[dreg:$0x4] =	wrdreg s24  }
0xb2: {  	[dreg:$0x5] =	wrdreg $0x9  }
0xb3: {  	_ =	task.clear_ibuf [dreg:s8], $0x6FFFF;
	_ =	strace $0x90000046  }
0xb4: {  	s29 =	simm.s32 $0x9;
	_ =	strace $0x80000048  }
0xb5: {  	_ =	swait.ge [sflag:s29], $0x1  }
0xb6: {  	[sflag:s29] =	ssyncadd.s32 $0xFFFFFFFF  }
0xb7: {  	_ =	strace $0x90000048  }
0xb8: {  	_ =	sfence  }
0xb9: {  	s30 =	sld [smem:$0x0];
	_ =	sdelay $0x2  }
0xba: {  	s31 =	sshll.u32 s1, $0xD;
	s1 =	sshrl.u32 s1, $0x2  }
0xbb: {  	s3 =	sand.u32 $0x4000, s31;
	s1 =	sadd.s32 s1, s30  }
0xbc: {  	s0 =	sor.u32 s3, s0;
	s1 =	sshll.u32 s1, $0x11  }
0xbd: {  	s0 =	sor.u32 s1, s0  }
0xbe: {  	s0 =	sadd.s32 $0x8F2B, s0  }
0xbf: {  	[sflag:s0] =	ssyncadd.remote.s32 $0x1  }
0xc0: {  	_ =	sfence.sel $0xFFFF  }
0xc1: {  	[dreg:$0x0] =	wrdreg $0xFFFFFFFF;
	(pc) =	sbr.abs _section_cstart, $3  }
0xc2: {  	[dreg:$0x1] =	wrdreg $0xFFFFFFFF  }
0xc3: {  	_ =	task.clear_ibuf [dreg:s8], $0x2FFFF;
	_ =	strace $0x9FFFFFFF  }
0xc4: {  	(tm) =	ssettm $0x7FFFFFFF  }
0xc5: {  	_ =	shalt  }
tec
execute0_lowered:
.L_overlay_start_1:
0x0: {  	(tag) =	ssettag $0x1  }
0x1: {  	s2 =	rddreg [dreg:$0x0]  }
0x2: {  	s0 =	rddreg [dreg:$0x1]  }
0x3: {  	s1 =	rddreg [dreg:$0x2]  }
0x4: {  	s3 =	srdreg.scid;
	s9 =	stileid.u32  }
0x5: {  	s10 =	simm.s32 $0x32;
	s11 =	simm.s32 $0x2000;
	s13 =	simm.s32 $0x3C00  }
0x6: {  	s15 =	simm.s32 $0x5800;
	s16 =	simm.s32 $0xC0;
	s17 =	simm.s32 $0x7400  }
0x7: {  	s18 =	simm.s32 $0x100;
	s19 =	simm.s32 $0x9000;
	s20 =	simm.s32 $0x140  }
0x8: {  	s21 =	simm.s32 $0xAC00;
	s28 =	simm.s32 $0x2;
	s29 =	simm.s32 $0x3  }
0x9: {  	s30 =	simm.s32 $0x4;
	s31 =	simm.s32 $0x0;
	s5 =	sand.u32 $0x1, s3  }
0xa: {  	s4 =	sshll.u32 s9, $0x1;
	s3 =	simm.s32 $0x0;
	s1 =	sadd.s32 $0x400, s1  }
0xb: {  	s23 =	smul.u32 $0x38000, s9;
	s9 =	simm.s32 $0x5;
	s6 =	ssub.s32 $0x2, s5  }
0xc: {  	s4 =	sor.u32 s5, s4;
	[smem:$0x7FF] =	sst s3;
	s25 =	smul.u32 $0x1C000, s5  }
0xd: {  	s7 =	sshrl.u32 s6, $0x1;
	s8 =	smul.u32 $0xE0000, s4;
	_ =	strace $0x80000047  }
0xe: {  	s4 =	sshll.u32 s4, $0xA;
	s26 =	sadd.s32 s23, s1;
	s23 =	simm.s32 $0xC800  }
0xf: {  	s7 =	ssub.s32 s6, s7;
	s4 =	sadd.s32 s0, s4;
	s22 =	sshrl.u32 s8, $0x3  }
0x10: {  	s7 =	smax.u32 s7, $0x1;
	s8 =	sadd.s32 s25, s26;
	s25 =	simm.s32 $0xE400  }
0x11: {  	s26 =	simm.s32 $0x1;
	s24 =	sadd.s32 s1, s22;
	s22 =	simm.s32 $0x180  }
0x12: {  	s5 =	sadd.s32 $0x1A400, s24;
	s6 =	sadd.s32 $0x1B200, s24;
	s24 =	simm.s32 $0x1C0  }
.LBB2_1:
0x13: {  	[tilespmem:s3], [sflag:$0x5] =	stream.linear.gather [hbm4b:s4+s3], $0x2000, $0x38;
	[tilespmem:$0x10000] =	vst v63  }
0x14: {  	_ =	swait.ge [sflag:s9], $0x2000  }
0x15: {  	[sflag:s9] =	ssyncset.done $0x0  }
0x16: {  	[sflag:s9] =	ssyncadd.s32 $0xFFFFE000  }
0x17: {  	[tilespmem:s11], [sflag:$0x1] =	stream.indirect.gather [hbm4b:s2+s10], $0x80, s3, s10, $0xb8;
	[tilespmem:$0x10000] =	vst v63  }
0x18: {  	s0 =	simm.s32 $0x40  }
0x19: {  	[tilespmem:s13], [sflag:$0x1] =	stream.indirect.gather [hbm4b:s2+s10], $0x80, s0, s10, $0xb8;
	[tilespmem:$0x10000] =	vst v63  }
0x1a: {  	s1 =	simm.s32 $0x80  }
0x1b: {  	[tilespmem:s15], [sflag:$0x1] =	stream.indirect.gather [hbm4b:s2+s10], $0x80, s1, s10, $0xb8;
	[tilespmem:$0x10000] =	vst v63  }
0x1c: {  	_ = 	snop  }
0x1d: {  	[tilespmem:s17], [sflag:$0x1] =	stream.indirect.gather [hbm4b:s2+s10], $0x80, s16, s10, $0xb8;
	[tilespmem:$0x10000] =	vst v63  }
0x1e: {  	_ = 	snop  }
0x1f: {  	[tilespmem:s19], [sflag:$0x2] =	stream.indirect.gather [hbm4b:s2+s10], $0x80, s18, s10, $0xb8;
	[tilespmem:$0x10000] =	vst v63  }
0x20: {  	_ = 	snop  }
0x21: {  	[tilespmem:s21], [sflag:$0x2] =	stream.indirect.gather [hbm4b:s2+s10], $0x80, s20, s10, $0xb8;
	[tilespmem:$0x10000] =	vst v63  }
0x22: {  	_ = 	snop  }
0x23: {  	[tilespmem:s23], [sflag:$0x2] =	stream.indirect.gather [hbm4b:s2+s10], $0x80, s22, s10, $0xb8;
	[tilespmem:$0x10000] =	vst v63  }
0x24: {  	_ = 	snop  }
0x25: {  	[tilespmem:s25], [sflag:$0x2] =	stream.indirect.gather [hbm4b:s2+s10], $0x80, s24, s10, $0xb8;
	[tilespmem:$0x10000] =	vst v63  }
0x26: {  	_ =	swait.ge [sflag:s26], $0x1900  }
0x27: {  	[sflag:s26] =	ssyncset.done $0x0  }
0x28: {  	[sflag:s26] =	ssyncadd.s32 $0xFFFFE700  }
0x29: {  	_ =	swait.ge [sflag:s26], $0x1900  }
0x2a: {  	[sflag:s26] =	ssyncset.done $0x0  }
0x2b: {  	[sflag:s26] =	ssyncadd.s32 $0xFFFFE700  }
0x2c: {  	_ =	swait.ge [sflag:s26], $0x1900  }
0x2d: {  	[sflag:s26] =	ssyncset.done $0x0  }
0x2e: {  	[sflag:s26] =	ssyncadd.s32 $0xFFFFE700  }
0x2f: {  	_ =	swait.ge [sflag:s26], $0x1900  }
0x30: {  	[sflag:s26] =	ssyncset.done $0x0  }
0x31: {  	[sflag:s26] =	ssyncadd.s32 $0xFFFFE700  }
0x32: {  	[hbm4b:s8+s3] =	stream.linear.scatter [tilespmem:s11], [sflag:$0x3], $0x1900, $0x38;
	[tilespmem:$0x10000] =	vst v63  }
0x33: {  	s12 =	sadd.s32 $0x380, s8  }
0x34: {  	[hbm4b:s12+s3] =	stream.linear.scatter [tilespmem:s13], [sflag:$0x3], $0x1900, $0x38;
	[tilespmem:$0x10000] =	vst v63  }
0x35: {  	s14 =	sadd.s32 $0x700, s8  }
0x36: {  	[hbm4b:s14+s3] =	stream.linear.scatter [tilespmem:s15], [sflag:$0x3], $0x1900, $0x38;
	[tilespmem:$0x10000] =	vst v63  }
0x37: {  	s1 =	sadd.s32 $0xA80, s8  }
0x38: {  	[hbm4b:s1+s3] =	stream.linear.scatter [tilespmem:s17], [sflag:$0x3], $0x1900, $0x38;
	[tilespmem:$0x10000] =	vst v63  }
0x39: {  	_ =	swait.ge [sflag:s28], $0x1900  }
0x3a: {  	[sflag:s28] =	ssyncset.done $0x0  }
0x3b: {  	[sflag:s28] =	ssyncadd.s32 $0xFFFFE700  }
0x3c: {  	_ =	swait.ge [sflag:s28], $0x1900  }
0x3d: {  	[sflag:s28] =	ssyncset.done $0x0  }
0x3e: {  	[sflag:s28] =	ssyncadd.s32 $0xFFFFE700  }
0x3f: {  	_ =	swait.ge [sflag:s28], $0x1900  }
0x40: {  	[sflag:s28] =	ssyncset.done $0x0  }
0x41: {  	[sflag:s28] =	ssyncadd.s32 $0xFFFFE700  }
0x42: {  	_ =	swait.ge [sflag:s28], $0x1900  }
0x43: {  	[sflag:s28] =	ssyncset.done $0x0  }
0x44: {  	s12 =	sadd.s32 $0xE00, s8;
	[sflag:s28] =	ssyncadd.s32 $0xFFFFE700  }
0x45: {  	[hbm4b:s12+s3] =	stream.linear.scatter [tilespmem:s19], [sflag:$0x4], $0x1900, $0x38;
	[tilespmem:$0x10000] =	vst v63  }
0x46: {  	s14 =	sadd.s32 $0x1180, s8  }
0x47: {  	[hbm4b:s14+s3] =	stream.linear.scatter [tilespmem:s21], [sflag:$0x4], $0x1900, $0x38;
	[tilespmem:$0x10000] =	vst v63  }
0x48: {  	s1 =	sadd.s32 $0x1500, s8  }
0x49: {  	[hbm4b:s1+s3] =	stream.linear.scatter [tilespmem:s23], [sflag:$0x4], $0x1900, $0x38;
	[tilespmem:$0x10000] =	vst v63  }
0x4a: {  	s12 =	sadd.s32 $0x1880, s8  }
0x4b: {  	[hbm4b:s12+s3] =	stream.linear.scatter [tilespmem:s25], [sflag:$0x4], $0x1900, $0x38;
	[tilespmem:$0x10000] =	vst v63  }
0x4c: {  	_ =	swait.ge [sflag:s29], $0x6400  }
0x4d: {  	[sflag:s29] =	ssyncset.done $0x0  }
0x4e: {  	s14 =	simm.s32 $0x200;
	[sflag:s29] =	ssyncadd.s32 $0xFFFF9C00  }
0x4f: {  	[tilespmem:s11], [sflag:$0x1] =	stream.indirect.gather [hbm4b:s2+s10], $0x80, s14, s10, $0xb8;
	[tilespmem:$0x10000] =	vst v63  }
0x50: {  	s1 =	simm.s32 $0x240  }
0x51: {  	[tilespmem:s13], [sflag:$0x1] =	stream.indirect.gather [hbm4b:s2+s10], $0x80, s1, s10, $0xb8;
	[tilespmem:$0x10000] =	vst v63  }
0x52: {  	s12 =	simm.s32 $0x280  }
0x53: {  	[tilespmem:s15], [sflag:$0x1] =	stream.indirect.gather [hbm4b:s2+s10], $0x80, s12, s10, $0xb8;
	[tilespmem:$0x10000] =	vst v63  }
0x54: {  	s14 =	simm.s32 $0x2C0  }
0x55: {  	[tilespmem:s17], [sflag:$0x1] =	stream.indirect.gather [hbm4b:s2+s10], $0x80, s14, s10, $0xb8;
	[tilespmem:$0x10000] =	vst v63  }
0x56: {  	_ =	swait.ge [sflag:s30], $0x6400  }
0x57: {  	[sflag:s30] =	ssyncset.done $0x0  }
0x58: {  	s1 =	simm.s32 $0x300;
	[sflag:s30] =	ssyncadd.s32 $0xFFFF9C00  }
0x59: {  	[tilespmem:s19], [sflag:$0x2] =	stream.indirect.gather [hbm4b:s2+s10], $0x80, s1, s10, $0xb8;
	[tilespmem:$0x10000] =	vst v63  }
0x5a: {  	s0 =	simm.s32 $0x800;
	s12 =	simm.s32 $0x340  }
0x5b: {  	[tilespmem:s21], [sflag:$0x2] =	stream.indirect.gather [hbm4b:s2+s10], $0x80, s12, s10, $0xb8;
	[tilespmem:$0x10000] =	vst v63  }
0x5c: {  	s14 =	simm.s32 $0x380;
	s1 =	sadd.s32 $0x1C00, s8;
	s12 =	simm.s32 $0x3C0  }
0x5d: {  	[tilespmem:s23], [sflag:$0x2] =	stream.indirect.gather [hbm4b:s2+s10], $0x80, s14, s10, $0xb8;
	[tilespmem:$0x10000] =	vst v63  }
.LBB2_2:
0x5e: {  	[tilespmem:s25], [sflag:$0x2] =	stream.indirect.gather [hbm4b:s2+s10], $0x80, s12, s10, $0xb8;
	[tilespmem:$0x10000] =	vst v63  }
0x5f: {  	s12 =	smov.u32 s0  }
0x60: {  	p0 =	sne.s32 s0, $0x7000;
	s0 =	sadd.s32 $0x800, s0;
	_ =	swait.ge [sflag:s26], $0x1900  }
0x61: {  	[sflag:s26] =	ssyncset.done $0x0  }
0x62: {  	[sflag:s26] =	ssyncadd.s32 $0xFFFFE700  }
0x63: {  	_ =	swait.ge [sflag:s26], $0x1900  }
0x64: {  	[sflag:s26] =	ssyncset.done $0x0  }
0x65: {  	[sflag:s26] =	ssyncadd.s32 $0xFFFFE700  }
0x66: {  	_ =	swait.ge [sflag:s26], $0x1900  }
0x67: {  	[sflag:s26] =	ssyncset.done $0x0  }
0x68: {  	[sflag:s26] =	ssyncadd.s32 $0xFFFFE700  }
0x69: {  	_ =	swait.ge [sflag:s26], $0x1900  }
0x6a: {  	[sflag:s26] =	ssyncset.done $0x0  }
0x6b: {  	[sflag:s26] =	ssyncadd.s32 $0xFFFFE700  }
0x6c: {  	[hbm4b:s1+s3] =	stream.linear.scatter [tilespmem:s11], [sflag:$0x3], $0x1900, $0x38;
	[tilespmem:$0x10000] =	vst v63  }
0x6d: {  	s14 =	sadd.s32 $0x380, s1  }
0x6e: {  	[hbm4b:s14+s3] =	stream.linear.scatter [tilespmem:s13], [sflag:$0x3], $0x1900, $0x38;
	[tilespmem:$0x10000] =	vst v63  }
0x6f: {  	s14 =	sadd.s32 $0x700, s1  }
0x70: {  	[hbm4b:s14+s3] =	stream.linear.scatter [tilespmem:s15], [sflag:$0x3], $0x1900, $0x38;
	[tilespmem:$0x10000] =	vst v63  }
0x71: {  	s14 =	sadd.s32 $0xA80, s1  }
0x72: {  	[hbm4b:s14+s3] =	stream.linear.scatter [tilespmem:s17], [sflag:$0x3], $0x1900, $0x38;
	[tilespmem:$0x10000] =	vst v63  }
0x73: {  	_ =	swait.ge [sflag:s28], $0x1900  }
0x74: {  	[sflag:s28] =	ssyncset.done $0x0  }
0x75: {  	[sflag:s28] =	ssyncadd.s32 $0xFFFFE700  }
0x76: {  	_ =	swait.ge [sflag:s28], $0x1900  }
0x77: {  	[sflag:s28] =	ssyncset.done $0x0  }
0x78: {  	[sflag:s28] =	ssyncadd.s32 $0xFFFFE700  }
0x79: {  	_ =	swait.ge [sflag:s28], $0x1900  }
0x7a: {  	[sflag:s28] =	ssyncset.done $0x0  }
0x7b: {  	[sflag:s28] =	ssyncadd.s32 $0xFFFFE700  }
0x7c: {  	_ =	swait.ge [sflag:s28], $0x1900  }
0x7d: {  	[sflag:s28] =	ssyncset.done $0x0  }
0x7e: {  	s14 =	sadd.s32 $0xE00, s1;
	[sflag:s28] =	ssyncadd.s32 $0xFFFFE700  }
0x7f: {  	[hbm4b:s14+s3] =	stream.linear.scatter [tilespmem:s19], [sflag:$0x4], $0x1900, $0x38;
	[tilespmem:$0x10000] =	vst v63  }
0x80: {  	s14 =	sadd.s32 $0x1180, s1  }
0x81: {  	[hbm4b:s14+s3] =	stream.linear.scatter [tilespmem:s21], [sflag:$0x4], $0x1900, $0x38;
	[tilespmem:$0x10000] =	vst v63  }
0x82: {  	s14 =	sadd.s32 $0x1500, s1  }
0x83: {  	[hbm4b:s14+s3] =	stream.linear.scatter [tilespmem:s23], [sflag:$0x4], $0x1900, $0x38;
	[tilespmem:$0x10000] =	vst v63  }
0x84: {  	s14 =	sadd.s32 $0x1880, s1  }
0x85: {  	[hbm4b:s14+s3] =	stream.linear.scatter [tilespmem:s25], [sflag:$0x4], $0x1900, $0x38;
	[tilespmem:$0x10000] =	vst v63  }
0x86: {  	_ =	swait.ge [sflag:s29], $0x6400  }
0x87: {  	s12 =	sshra.s32 s12, $0x2;
	[sflag:s29] =	ssyncset.done $0x0  }
0x88: {  	s14 =	sadd.s32 $0x200, s12;
	[sflag:s29] =	ssyncadd.s32 $0xFFFF9C00  }
0x89: {  	[tilespmem:s11], [sflag:$0x1] =	stream.indirect.gather [hbm4b:s2+s10], $0x80, s14, s10, $0xb8;
	[tilespmem:$0x10000] =	vst v63  }
0x8a: {  	s14 =	sadd.s32 $0x240, s12  }
0x8b: {  	[tilespmem:s13], [sflag:$0x1] =	stream.indirect.gather [hbm4b:s2+s10], $0x80, s14, s10, $0xb8;
	[tilespmem:$0x10000] =	vst v63  }
0x8c: {  	s14 =	sadd.s32 $0x280, s12  }
0x8d: {  	[tilespmem:s15], [sflag:$0x1] =	stream.indirect.gather [hbm4b:s2+s10], $0x80, s14, s10, $0xb8;
	[tilespmem:$0x10000] =	vst v63  }
0x8e: {  	s14 =	sadd.s32 $0x2C0, s12  }
0x8f: {  	[tilespmem:s17], [sflag:$0x1] =	stream.indirect.gather [hbm4b:s2+s10], $0x80, s14, s10, $0xb8;
	[tilespmem:$0x10000] =	vst v63  }
0x90: {  	_ =	swait.ge [sflag:s30], $0x6400  }
0x91: {  	[sflag:s30] =	ssyncset.done $0x0  }
0x92: {  	s14 =	sadd.s32 $0x300, s12;
	[sflag:s30] =	ssyncadd.s32 $0xFFFF9C00  }
0x93: {  	[tilespmem:s19], [sflag:$0x2] =	stream.indirect.gather [hbm4b:s2+s10], $0x80, s14, s10, $0xb8;
	[tilespmem:$0x10000] =	vst v63  }
.Ltmp0:
0x94: {  	s14 =	sadd.s32 $0x340, s12;
	(pc) =	sbr.rel @p0 .LBB2_2-.Ltmp0, $4  }
0x95: {  	[tilespmem:s21], [sflag:$0x2] =	stream.indirect.gather [hbm4b:s2+s10], $0x80, s14, s10, $0xb8;
	[tilespmem:$0x10000] =	vst v63  }
0x96: {  	s14 =	sadd.s32 $0x380, s12  }
0x97: {  	[tilespmem:s23], [sflag:$0x2] =	stream.indirect.gather [hbm4b:s2+s10], $0x80, s14, s10, $0xb8;
	[tilespmem:$0x10000] =	vst v63  }
0x98: {  	s1 =	sadd.s32 $0x1C00, s1;
	s12 =	sadd.s32 $0x3C0, s12  }
0x99: {  	[tilespmem:s25], [sflag:$0x2] =	stream.indirect.gather [hbm4b:s2+s10], $0x80, s12, s10, $0xb8;
	[tilespmem:$0x10000] =	vst v63  }
0x9a: {  	_ =	swait.ge [sflag:s26], $0x1900  }
0x9b: {  	[sflag:s26] =	ssyncset.done $0x0  }
0x9c: {  	[sflag:s26] =	ssyncadd.s32 $0xFFFFE700  }
0x9d: {  	_ =	swait.ge [sflag:s26], $0x1900  }
0x9e: {  	[sflag:s26] =	ssyncset.done $0x0  }
0x9f: {  	[sflag:s26] =	ssyncadd.s32 $0xFFFFE700  }
0xa0: {  	_ =	swait.ge [sflag:s26], $0x1900  }
0xa1: {  	[sflag:s26] =	ssyncset.done $0x0  }
0xa2: {  	[sflag:s26] =	ssyncadd.s32 $0xFFFFE700  }
0xa3: {  	_ =	swait.ge [sflag:s26], $0x1900  }
0xa4: {  	[sflag:s26] =	ssyncset.done $0x0  }
0xa5: {  	[sflag:s26] =	ssyncadd.s32 $0xFFFFE700  }
0xa6: {  	[hbm4b:s5+s3] =	stream.linear.scatter [tilespmem:s11], [sflag:$0x3], $0x1900, $0x38;
	[tilespmem:$0x10000] =	vst v63  }
0xa7: {  	s0 =	sadd.s32 $0x380, s5  }
0xa8: {  	[hbm4b:s0+s3] =	stream.linear.scatter [tilespmem:s13], [sflag:$0x3], $0x1900, $0x38;
	[tilespmem:$0x10000] =	vst v63  }
0xa9: {  	s12 =	sadd.s32 $0x700, s5  }
0xaa: {  	[hbm4b:s12+s3] =	stream.linear.scatter [tilespmem:s15], [sflag:$0x3], $0x1900, $0x38;
	[tilespmem:$0x10000] =	vst v63  }
0xab: {  	s14 =	sadd.s32 $0xA80, s5  }
0xac: {  	[hbm4b:s14+s3] =	stream.linear.scatter [tilespmem:s17], [sflag:$0x3], $0x1900, $0x38;
	[tilespmem:$0x10000] =	vst v63  }
0xad: {  	_ =	swait.ge [sflag:s28], $0x1900  }
0xae: {  	[sflag:s28] =	ssyncset.done $0x0  }
0xaf: {  	[sflag:s28] =	ssyncadd.s32 $0xFFFFE700  }
0xb0: {  	_ =	swait.ge [sflag:s28], $0x1900  }
0xb1: {  	[sflag:s28] =	ssyncset.done $0x0  }
0xb2: {  	[sflag:s28] =	ssyncadd.s32 $0xFFFFE700  }
0xb3: {  	_ =	swait.ge [sflag:s28], $0x1900  }
0xb4: {  	[sflag:s28] =	ssyncset.done $0x0  }
0xb5: {  	[sflag:s28] =	ssyncadd.s32 $0xFFFFE700  }
0xb6: {  	_ =	swait.ge [sflag:s28], $0x1900  }
0xb7: {  	[sflag:s28] =	ssyncset.done $0x0  }
0xb8: {  	[sflag:s28] =	ssyncadd.s32 $0xFFFFE700  }
0xb9: {  	[hbm4b:s6+s3] =	stream.linear.scatter [tilespmem:s19], [sflag:$0x4], $0x1900, $0x38;
	[tilespmem:$0x10000] =	vst v63  }
0xba: {  	s1 =	sadd.s32 $0x380, s6  }
0xbb: {  	[hbm4b:s1+s3] =	stream.linear.scatter [tilespmem:s21], [sflag:$0x4], $0x1900, $0x38;
	[tilespmem:$0x10000] =	vst v63  }
0xbc: {  	s12 =	sadd.s32 $0x700, s6  }
0xbd: {  	[hbm4b:s12+s3] =	stream.linear.scatter [tilespmem:s23], [sflag:$0x4], $0x1900, $0x38;
	[tilespmem:$0x10000] =	vst v63  }
0xbe: {  	s31 =	sadd.s32 $0x1, s31;
	s14 =	sadd.s32 $0xA80, s6  }
0xbf: {  	[hbm4b:s14+s3] =	stream.linear.scatter [tilespmem:s25], [sflag:$0x4], $0x1900, $0x38;
	[tilespmem:$0x10000] =	vst v63  }
0xc0: {  	p0 =	sne.s32 s31, s7;
	_ =	swait.ge [sflag:s29], $0x6400  }
.Ltmp1:
0xc1: {  	[sflag:s29] =	ssyncset.done $0x0;
	(pc) =	sbr.rel @p0 .LBB2_1-.Ltmp1, $4  }
0xc2: {  	[sflag:s29] =	ssyncadd.s32 $0xFFFF9C00  }
0xc3: {  	_ =	swait.ge [sflag:s30], $0x6400  }
0xc4: {  	[sflag:s30] =	ssyncset.done $0x0  }
0xc5: {  	[sflag:s30] =	ssyncadd.s32 $0xFFFF9C00  }
0xc6: {  	_ =	sfence.sel $0x180000  }
0xc7: {  	[bflag:$0x0] =	sbarrier.arrive $0xFFFF  }
0xc8: {  	_ =	strace $0x90000047  }
0xc9: {  	s0 =	stileid.u32;
	[bflag:$0x2] =	sbarrier.arrive $0xFFFF  }
0xca: {  	p0 =	sne.s32 s0, $0x0;
	s0 =	rddreg [dreg:$0x3]  }
0xcb: {  	s0 =	sadd.s32 @!p0 $0x100000, s0  }
0xcc: {  	[sflag:s0] =	ssyncadd.tile.s32 @!p0 $0x1;
	_ =	shalt  }
.Lfunc_end2:
_tile_overlayer_lowered:
.L_overlay_start_2:
0xcd: {  	(tag) =	ssettag $0x2  }
0xce: {  	s0 =	rddreg [dreg:$0x0];
	s2 =	stileid.u32  }
0xcf: {  	s1 =	rddreg [dreg:$0x1];
	p0 =	sne.s32 s2, $0x0  }
0xd0: {  	s3 =	rddreg [dreg:$0x2];
	[bflag:$0x3] =	sbarrier.arrive $0xFFFF;
	s2 =	simm.s32 @!p0 $0x1C05  }
0xd1: {  	[timem:s3], [sflag:s2] =	dma.local @!p0 [hbm:s0], s1  }
0xd2: {  	s0 =	simm.s32 @!p0 $0x5  }
0xd3: {  	_ =	swait.ge @!p0 [sflag:s0], s1  }
0xd4: {  	s1 =	ssub.s32 @!p0 $0x0, s1;
	[sflag:s0] =	ssyncset.done @!p0 $0x0  }
0xd5: {  	[sflag:s0] =	ssyncadd.s32 @!p0 s1  }
0xd6: {  	[bflag:$0x3] =	sbarrier.arrive $0xFFFF  }
0xd7: {  	_ =	shalt  }

</sc_bundles>
